<compile_context>
chip_gen: v7x
topology: tpu7x:2x2x1
jax: 0.10.2.dev20260603
libtpu: 0.0.44.dev20260713+nightly
codegen_flags: <defaults>
</compile_context>

<pallas_src>
import functools

import jax
import jax.numpy as jnp
from jax import lax
from jax.experimental import pallas as pl
from jax.experimental.pallas import tpu as pltpu
from jax.experimental.pallas import tpu_sc as plsc

_N = 256
_E = 4096
_NC = 2
_NS = 16
_EPT = _E // _NS
_LANES = 16

_F32 = jnp.float32


def _t_dot(a, b):
    return lax.dot_general(a, b, (((1,), (1,)), ((), ())),
                           preferred_element_type=_F32)


_KB = 4
_KC = 2048 // _KB


def _pre_body(x_e, w1_e, as1_e, ad1_e, eat_e, we1_e, ae1_e, we2_e, ae2_e,
              x_g, w1_g, as1_g, ad1_g, eat_g, we1_g, ae1_g, we2_g, ae2_g,
              h1_o, ssrc_o, sdst_o, esc1_o, esc2_o):
    k = pl.program_id(0)
    branches = ((x_e, w1_e, as1_e, ad1_e, eat_e, we1_e, ae1_e, we2_e, ae2_e),
                (x_g, w1_g, as1_g, ad1_g, eat_g, we1_g, ae1_g, we2_g, ae2_g))
    for b, (x, w1, a_s, a_d, eat, we1, ae1, we2, ae2) in enumerate(branches):
        part = jnp.dot(x[...], w1[...], preferred_element_type=_F32)

        @pl.when(k == 0)
        def _(part=part, b=b):
            h1_o[b] = part

        @pl.when(k > 0)
        def _(part=part, b=b):
            h1_o[b] = h1_o[b] + part

    @pl.when(k == 0)
    def _():
        for b, (x, w1, a_s, a_d, eat, we1, ae1, we2, ae2) in \
                enumerate(branches):
            wc1 = _t_dot(ae1[...].reshape(1, -1), we1[...])
            wc2 = _t_dot(ae2[...].reshape(1, -1), we2[...])
            e12 = jnp.dot(jnp.concatenate([wc1, wc2], axis=0), eat[...],
                          preferred_element_type=_F32)
            esc1_o[pl.ds(b * _E, _E)] = e12[0]
            esc2_o[pl.ds(b * _E, _E)] = e12[1]

    @pl.when(k == _KB - 1)
    def _():
        for b, (x, w1, a_s, a_d, eat, we1, ae1, we2, ae2) in \
                enumerate(branches):
            av = jnp.concatenate([a_s[...].reshape(1, -1),
                                  a_d[...].reshape(1, -1)], axis=0)
            sd = _t_dot(av, h1_o[b])
            ssrc_o[pl.ds(b * _N, _N)] = sd[0]
            sdst_o[pl.ds(b * _N, _N)] = sd[1]


def _tc_pre(*args):
    full = lambda shape: pl.BlockSpec(shape, lambda k: (0,) * len(shape))
    xs = pl.BlockSpec((_N, _KC), lambda k: (0, k))
    ws = pl.BlockSpec((_KC, 512), lambda k: (k, 0))
    per_branch = [xs, ws, full((512,)), full((512,)), full((16, _E)),
                  full((16, 512)), full((512,)), full((16, 128)),
                  full((128,))]
    return pl.pallas_call(
        _pre_body,
        grid=(_KB,),
        in_specs=per_branch + per_branch,
        out_specs=[
            pl.BlockSpec((2, _N, 512), lambda k: (0, 0, 0)),
            pl.BlockSpec((2 * _N,), lambda k: (0,)),
            pl.BlockSpec((2 * _N,), lambda k: (0,)),
            pl.BlockSpec((2 * _E,), lambda k: (0,)),
            pl.BlockSpec((2 * _E,), lambda k: (0,)),
        ],
        out_shape=[
            jax.ShapeDtypeStruct((2, _N, 512), _F32),
            jax.ShapeDtypeStruct((2 * _N,), _F32),
            jax.ShapeDtypeStruct((2 * _N,), _F32),
            jax.ShapeDtypeStruct((2 * _E,), _F32),
            jax.ShapeDtypeStruct((2 * _E,), _F32),
        ],
        compiler_params=pltpu.CompilerParams(
            dimension_semantics=("arbitrary",)),
    )(*args)


@functools.cache
def _sc_edge_kernel():
    mesh = plsc.VectorSubcoreMesh(
        core_axis_name="c", subcore_axis_name="s",
        num_cores=_NC, num_subcores=_NS)

    @functools.partial(
        pl.kernel,
        out_type=jax.ShapeDtypeStruct((2 * _N * _N,), _F32),
        mesh=mesh,
        scratch_types=[
            pltpu.VMEM((_N,), _F32),
            pltpu.VMEM((_N,), _F32),
            pltpu.VMEM((_EPT,), _F32),
            pltpu.VMEM((_EPT,), jnp.int32),
            pltpu.VMEM((_EPT,), jnp.int32),
            pltpu.VMEM((2, 128), _F32),
            pltpu.VMEM((2, 128), jnp.int32),
            pltpu.VMEM_SHARED((_N * _N,), _F32),
            pltpu.SemaphoreType.DMA,
            pltpu.SemaphoreType.DMA,
        ],
        compiler_params=pltpu.CompilerParams(needs_layout_passes=False),
    )
    def k(ssrc_h, sdst_h, esc_h, ei_h, zeros_h, a_out,
          ssrc_v, sdst_v, esc_v, src_v, dst_v, ex_v, idx_v, a_sh,
          sem_in, sem_sc):
        c = lax.axis_index("c")
        s = lax.axis_index("s")
        base = s * _EPT
        cps = [
            pltpu.async_copy(ei_h.at[pl.ds(c * 2 * _E + base, _EPT)],
                             src_v, sem_in),
            pltpu.async_copy(ei_h.at[pl.ds(c * 2 * _E + _E + base, _EPT)],
                             dst_v, sem_in),
            pltpu.async_copy(ssrc_h.at[pl.ds(c * _N, _N)], ssrc_v, sem_in),
            pltpu.async_copy(sdst_h.at[pl.ds(c * _N, _N)], sdst_v, sem_in),
            pltpu.async_copy(esc_h.at[pl.ds(c * _E + base, _EPT)],
                             esc_v, sem_in),
        ]

        @pl.when(s == 0)
        def _():
            pltpu.sync_copy(zeros_h, a_sh)

        for cp in cps:
            cp.wait()

        @pl.loop(0, _EPT // _LANES)
        def _(j):
            si = src_v[pl.ds(j * _LANES, _LANES)]
            di = dst_v[pl.ds(j * _LANES, _LANES)]
            sa = plsc.load_gather(ssrc_v, [si])
            sb = plsc.load_gather(sdst_v, [di])
            t = sa + sb + esc_v[pl.ds(j * _LANES, _LANES)]
            t = jnp.maximum(t, t * _F32(0.2))
            ex_v[j // 8, pl.ds((j % 8) * _LANES, _LANES)] = jnp.exp(t)
            idx_v[j // 8, pl.ds((j % 8) * _LANES, _LANES)] = di * _N + si

        plsc.subcore_barrier()
        d0 = pltpu.async_copy(ex_v.at[0], a_sh.at[idx_v.at[0]], sem_sc,
                              add=True)
        d1 = pltpu.async_copy(ex_v.at[1], a_sh.at[idx_v.at[1]], sem_sc,
                              add=True)
        d0.wait()
        d1.wait()
        plsc.subcore_barrier()

        @pl.when(s == 0)
        def _():
            pltpu.sync_copy(a_sh, a_out.at[pl.ds(c * _N * _N, _N * _N)])

    return k


def _sc_edge(ssrc, sdst, esc, ei, zeros):
    return _sc_edge_kernel()(ssrc, sdst, esc, ei, zeros)


def _mid_body(a, h1, b1_e, b1_g, w2_e, w2_g, as2_e, ad2_e, as2_g, ad2_g,
              h2_o, ssrc_o, sdst_o):
    for b, (b1, w2, a_s, a_d) in enumerate(((b1_e, w2_e, as2_e, ad2_e),
                                            (b1_g, w2_g, as2_g, ad2_g))):
        am = a[b]
        den = jnp.sum(am, axis=1, keepdims=True) + _F32(1e-16)
        m = jnp.dot(am, h1[b], preferred_element_type=_F32) / den
        t = jnp.maximum(m + b1[...].reshape(1, -1), 0.0)
        h2 = jnp.dot(t, w2[...], preferred_element_type=_F32)
        h2_o[b] = h2
        av = jnp.concatenate([a_s[...].reshape(1, -1),
                              a_d[...].reshape(1, -1)], axis=0)
        sd = _t_dot(av, h2)
        ssrc_o[pl.ds(b * _N, _N)] = sd[0]
        sdst_o[pl.ds(b * _N, _N)] = sd[1]


def _tc_mid(*args):
    return pl.pallas_call(
        _mid_body,
        out_shape=[
            jax.ShapeDtypeStruct((2, _N, 128), _F32),
            jax.ShapeDtypeStruct((2 * _N,), _F32),
            jax.ShapeDtypeStruct((2 * _N,), _F32),
        ],
    )(*args)


def _fin_body(a, h2, b2_e, wp_e, bp_e, b2_g, wp_g, bp_g,
              w1a, b1a, w1b, b1b, w2a, b2a, w2b, b2b, out_o):
    feats = []
    for b, (b2, wp, bp) in enumerate(((b2_e, wp_e, bp_e),
                                      (b2_g, wp_g, bp_g))):
        am = a[b]
        den = jnp.sum(am, axis=1, keepdims=True) + _F32(1e-16)
        o = jnp.dot(am, h2[b], preferred_element_type=_F32) / den
        o = o + b2[...].reshape(1, -1)
        feats.append(jnp.dot(o, wp[...], preferred_element_type=_F32)
                     + bp[...].reshape(1, -1))
    z = jnp.concatenate(feats, axis=0)
    t = z + jnp.sum(z, axis=0, keepdims=True)
    t = jnp.maximum(jnp.dot(t, w1a[...], preferred_element_type=_F32)
                    + b1a[...].reshape(1, -1), 0.0)
    t = jnp.dot(t, w1b[...], preferred_element_type=_F32) \
        + b1b[...].reshape(1, -1)
    t = jnp.maximum(t, 0.0)
    t = t + jnp.sum(t, axis=0, keepdims=True)
    t = jnp.maximum(jnp.dot(t, w2a[...], preferred_element_type=_F32)
                    + b2a[...].reshape(1, -1), 0.0)
    out_o[...] = (jnp.dot(t, w2b[...], preferred_element_type=_F32)
                  + b2b[...].reshape(1, -1))


def _tc_fin(*args):
    return pl.pallas_call(
        _fin_body,
        out_shape=jax.ShapeDtypeStruct((2 * _N, 128), _F32),
    )(*args)


def kernel(emg_x, emg_edge_index, emg_edge_attr,
           eeg_x, eeg_edge_index, eeg_edge_attr, params):
    pe = params["emg_gat"]
    pg = params["eeg_gat"]
    gin = params["gin"]

    h1, ssrc1, sdst1, esc1, esc2 = _tc_pre(
        emg_x, pe["W1"], pe["as1"], pe["ad1"], emg_edge_attr.T,
        pe["We1"], pe["ae1"], pe["We2"], pe["ae2"],
        eeg_x, pg["W1"], pg["as1"], pg["ad1"], eeg_edge_attr.T,
        pg["We1"], pg["ae1"], pg["We2"], pg["ae2"])

    zeros = jnp.zeros((_N * _N,), _F32)
    ei = jnp.concatenate([emg_edge_index.reshape(-1),
                          eeg_edge_index.reshape(-1)])
    a1 = _sc_edge(ssrc1, sdst1, esc1, ei, zeros)

    h2, ssrc2, sdst2 = _tc_mid(
        a1.reshape(2, _N, _N), h1, pe["b1"], pg["b1"],
        pe["W2"], pg["W2"], pe["as2"], pe["ad2"], pg["as2"], pg["ad2"])

    a2 = _sc_edge(ssrc2, sdst2, esc2, ei, zeros)

    prj_e = params["emg_proj"]
    prj_g = params["eeg_proj"]
    return _tc_fin(
        a2.reshape(2, _N, _N), h2,
        pe["b2"], prj_e["W"], prj_e["b"],
        pg["b2"], prj_g["W"], prj_g["b"],
        gin["W1a"], gin["b1a"], gin["W1b"], gin["b1b"],
        gin["W2a"], gin["b2a"], gin["W2b"], gin["b2b"])

# --- scband reference (transcript-rebuilt; emitter-appended) ---
"""Pipeline reference for scband-emgeegfusion-encoderv2-45217415692436 (READ-ONLY COPY).

The authoritative reference and input builder live on the scoring server;
editing this copy changes nothing except your own understanding.
"""

import jax, jax.numpy as jnp
import numpy as np

N_NODES = 256
N_EDGES = 4096
T_IN = 2048
D_HID = 512
D_LAT = 128
D_EDGE = 16
GIN_HID = 256

def _lin(key, din, dout):
    return (jax.random.normal(key, (din, dout), dtype=jnp.float32) / np.sqrt(din)).astype(jnp.float32)

def _vec(key, d):
    return jax.random.normal(key, (d,), dtype=jnp.float32) * 0.1

def _make_gat_params(key, d_in, d_hid, d_out, d_edge):
    ks = jax.random.split(key, 10)
    return {
        "W1": _lin(ks[0], d_in, d_hid), "as1": _vec(ks[1], d_hid), "ad1": _vec(ks[2], d_hid),
        "We1": _lin(ks[3], d_edge, d_hid), "ae1": _vec(ks[4], d_hid), "b1": jnp.zeros((d_hid,), jnp.float32),
        "W2": _lin(ks[5], d_hid, d_out), "as2": _vec(ks[6], d_out), "ad2": _vec(ks[7], d_out),
        "We2": _lin(ks[8], d_edge, d_out), "ae2": _vec(ks[9], d_out), "b2": jnp.zeros((d_out,), jnp.float32),
    }

def _make_params(key):
    ks = jax.random.split(key, 8)
    return {
        "emg_gat": _make_gat_params(ks[0], T_IN, D_HID, D_LAT, D_EDGE),
        "eeg_gat": _make_gat_params(ks[1], T_IN, D_HID, D_LAT, D_EDGE),
        "emg_proj": {"W": _lin(ks[2], D_LAT, D_LAT), "b": jnp.zeros((D_LAT,), jnp.float32)},
        "eeg_proj": {"W": _lin(ks[3], D_LAT, D_LAT), "b": jnp.zeros((D_LAT,), jnp.float32)},
        "gin": {
            "W1a": _lin(ks[4], D_LAT, GIN_HID), "b1a": jnp.zeros((GIN_HID,), jnp.float32),
            "W1b": _lin(ks[5], GIN_HID, GIN_HID), "b1b": jnp.zeros((GIN_HID,), jnp.float32),
            "W2a": _lin(ks[6], GIN_HID, D_LAT), "b2a": jnp.zeros((D_LAT,), jnp.float32),
            "W2b": _lin(ks[7], D_LAT, D_LAT), "b2b": jnp.zeros((D_LAT,), jnp.float32),
        },
    }

def _gat_conv(x, src, dst, edge_attr, W, a_s, a_d, We, a_e, b, n):
    h = x @ W
    alpha = (h * a_s).sum(-1)[src] + (h * a_d).sum(-1)[dst] + ((edge_attr @ We) * a_e).sum(-1)
    alpha = jax.nn.leaky_relu(alpha, negative_slope=0.2)
    m = jax.ops.segment_max(alpha, dst, num_segments=n)
    ex = jnp.exp(alpha - m[dst])
    den = jax.ops.segment_sum(ex, dst, num_segments=n)
    coef = ex / (den[dst] + 1e-16)
    return jax.ops.segment_sum(h[src] * coef[:, None], dst, num_segments=n) + b

def _gat(x, edge_index, edge_attr, p, n):
    src, dst = edge_index[0], edge_index[1]
    h = _gat_conv(x, src, dst, edge_attr, p["W1"], p["as1"], p["ad1"], p["We1"], p["ae1"], p["b1"], n)
    h = jax.nn.relu(h)
    return _gat_conv(h, src, dst, edge_attr, p["W2"], p["as2"], p["ad2"], p["We2"], p["ae2"], p["b2"], n)

def _gin_conv(x, src, dst, Wa, ba, Wb, bb, n):
    aggr = jax.ops.segment_sum(x[src], dst, num_segments=n)
    h = x + aggr  # eps = 0 (GINConv default)
    h = jax.nn.relu(h @ Wa + ba)
    return h @ Wb + bb

def _forward(emg_x, emg_edge_index, emg_edge_attr, eeg_x, eeg_edge_index, eeg_edge_attr, params):
    n = emg_x.shape[0]
    emg_feat = _gat(emg_x, emg_edge_index, emg_edge_attr, params["emg_gat"], n)
    emg_feat = emg_feat @ params["emg_proj"]["W"] + params["emg_proj"]["b"]
    m = eeg_x.shape[0]
    eeg_feat = _gat(eeg_x, eeg_edge_index, eeg_edge_attr, params["eeg_gat"], m)
    eeg_feat = eeg_feat @ params["eeg_proj"]["W"] + params["eeg_proj"]["b"]
    z = jnp.concatenate([emg_feat, eeg_feat], axis=0)
    nt = z.shape[0]
    # create_neural_attn_adj: scaled dot-product attention adjacency over fused nodes
    attn = jax.nn.softmax(z @ z.T / np.sqrt(z.shape[-1]), axis=-1)
    # dense_to_sparse on an all-positive softmax matrix -> full N^2 edge set (row-major)
    row = jnp.repeat(jnp.arange(nt), nt)
    col = jnp.tile(jnp.arange(nt), nt)
    edge_w = attn.reshape(-1)  # edge_attr of fused graph; PyG GIN (GINConv) does not consume edge_attr
    g = params["gin"]
    h = _gin_conv(z, row, col, g["W1a"], g["b1a"], g["W1b"], g["b1b"], nt)
    h = jax.nn.relu(h)
    h = _gin_conv(h, row, col, g["W2a"], g["b2a"], g["W2b"], g["b2b"], nt)
    return h

def setup_inputs(seed: int = 0):
    key = jax.random.key(seed)
    ks = jax.random.split(key, 8)
    return {
        "emg_x": jax.random.normal(ks[0], (N_NODES, T_IN), dtype=jnp.float32),
        "emg_edge_index": jax.random.randint(ks[1], (2, N_EDGES), 0, N_NODES, dtype=jnp.int32),
        "emg_edge_attr": jax.random.normal(ks[2], (N_EDGES, D_EDGE), dtype=jnp.float32),
        "eeg_x": jax.random.normal(ks[3], (N_NODES, T_IN), dtype=jnp.float32),
        "eeg_edge_index": jax.random.randint(ks[4], (2, N_EDGES), 0, N_NODES, dtype=jnp.int32),
        "eeg_edge_attr": jax.random.normal(ks[5], (N_EDGES, D_EDGE), dtype=jnp.float32),
        "params": _make_params(ks[6]),
    }

def reference(emg_x, emg_edge_index, emg_edge_attr, eeg_x, eeg_edge_index, eeg_edge_attr, params):
    return _forward(emg_x, emg_edge_index, emg_edge_attr, eeg_x, eeg_edge_index, eeg_edge_attr, params)

if __name__ == "__main__":
    import jax
    _d = setup_inputs()
    print(jax.jit(kernel)(*tuple(_d.values())))

</pallas_src>

<mosaic_0001>
#map = affine_map<(d0, d1) -> (0)>
module attributes {stable_mosaic.version = 14 : i64} {
  func.func @k(%arg0: i32, %arg1: i32, %arg2: memref<512xf32, #tpu.memory_space<hbm>>, %arg3: memref<512xf32, #tpu.memory_space<hbm>>, %arg4: memref<8192xf32, #tpu.memory_space<hbm>>, %arg5: memref<16384xi32, #tpu.memory_space<hbm>>, %arg6: memref<65536xf32, #tpu.memory_space<hbm>>, %arg7: memref<131072xf32, #tpu.memory_space<hbm>>, %arg8: memref<256xf32, #tpu.memory_space<vmem>>, %arg9: memref<256xf32, #tpu.memory_space<vmem>>, %arg10: memref<256xf32, #tpu.memory_space<vmem>>, %arg11: memref<256xi32, #tpu.memory_space<vmem>>, %arg12: memref<256xi32, #tpu.memory_space<vmem>>, %arg13: memref<2x128xf32, #tpu.memory_space<vmem>>, %arg14: memref<2x128xi32, #tpu.memory_space<vmem>>, %arg15: memref<65536xf32, #tpu.memory_space<vmem_shared>>, %arg16: memref<!tpu.dma_semaphore, #tpu.memory_space<semaphore_mem>>, %arg17: memref<!tpu.dma_semaphore, #tpu.memory_space<semaphore_mem>>) attributes {dimension_semantics = [#tpu.dimension_semantics<core_parallel>, #tpu.dimension_semantics<subcore_parallel>], iteration_bounds = array<i64: 2, 16>, scalar_prefetch = 0 : i64, scratch_operands = 10 : i64, tpu.core_type = #tpu.core_type<sc_vector_subcore>, window_params = [{transform_indices = #map}, {transform_indices = #map}, {transform_indices = #map}, {transform_indices = #map}, {transform_indices = #map}, {transform_indices = #map}]} {
    %mul3A = arith.constant 256 : i32
    %mul3A_0 = arith.muli %arg1, %mul3A : i32
    %mul3A_1 = arith.constant 2 : i32
    %mul3A_2 = arith.muli %arg0, %mul3A_1 : i32
    %mul3A_3 = arith.constant 4096 : i32
    %mul3A_4 = arith.muli %mul3A_2, %mul3A_3 : i32
    %add3A = arith.addi %mul3A_4, %mul3A_0 : i32
    %dma_start3A = tpu.memref_slice %arg5[%add3A] : memref<16384xi32, #tpu.memory_space<hbm>> -> memref<256xi32, #tpu.memory_space<hbm>>
    %dma_start3A_5 = tpu.memref_slice %arg5[%add3A] : memref<16384xi32, #tpu.memory_space<hbm>> -> memref<256xi32, #tpu.memory_space<hbm>>
    tpu.enqueue_dma source(%dma_start3A_5 : memref<256xi32, #tpu.memory_space<hbm>>) target(%arg11 : memref<256xi32, #tpu.memory_space<vmem>>) target_semaphore(%arg16 : memref<!tpu.dma_semaphore, #tpu.memory_space<semaphore_mem>>)
    %mul3A_6 = arith.constant 2 : i32
    %mul3A_7 = arith.muli %arg0, %mul3A_6 : i32
    %mul3A_8 = arith.constant 4096 : i32
    %mul3A_9 = arith.muli %mul3A_7, %mul3A_8 : i32
    %add3A_10 = arith.constant 4096 : i32
    %add3A_11 = arith.addi %mul3A_9, %add3A_10 : i32
    %add3A_12 = arith.addi %add3A_11, %mul3A_0 : i32
    %dma_start3A_13 = tpu.memref_slice %arg5[%add3A_12] : memref<16384xi32, #tpu.memory_space<hbm>> -> memref<256xi32, #tpu.memory_space<hbm>>
    %dma_start3A_14 = tpu.memref_slice %arg5[%add3A_12] : memref<16384xi32, #tpu.memory_space<hbm>> -> memref<256xi32, #tpu.memory_space<hbm>>
    tpu.enqueue_dma source(%dma_start3A_14 : memref<256xi32, #tpu.memory_space<hbm>>) target(%arg12 : memref<256xi32, #tpu.memory_space<vmem>>) target_semaphore(%arg16 : memref<!tpu.dma_semaphore, #tpu.memory_space<semaphore_mem>>)
    %mul3A_15 = arith.constant 256 : i32
    %mul3A_16 = arith.muli %arg0, %mul3A_15 : i32
    %dma_start3A_17 = tpu.memref_slice %arg2[%mul3A_16] : memref<512xf32, #tpu.memory_space<hbm>> -> memref<256xf32, #tpu.memory_space<hbm>>
    %dma_start3A_18 = tpu.memref_slice %arg2[%mul3A_16] : memref<512xf32, #tpu.memory_space<hbm>> -> memref<256xf32, #tpu.memory_space<hbm>>
    tpu.enqueue_dma source(%dma_start3A_18 : memref<256xf32, #tpu.memory_space<hbm>>) target(%arg8 : memref<256xf32, #tpu.memory_space<vmem>>) target_semaphore(%arg16 : memref<!tpu.dma_semaphore, #tpu.memory_space<semaphore_mem>>)
    %mul3A_19 = arith.constant 256 : i32
    %mul3A_20 = arith.muli %arg0, %mul3A_19 : i32
    %dma_start3A_21 = tpu.memref_slice %arg3[%mul3A_20] : memref<512xf32, #tpu.memory_space<hbm>> -> memref<256xf32, #tpu.memory_space<hbm>>
    %dma_start3A_22 = tpu.memref_slice %arg3[%mul3A_20] : memref<512xf32, #tpu.memory_space<hbm>> -> memref<256xf32, #tpu.memory_space<hbm>>
    tpu.enqueue_dma source(%dma_start3A_22 : memref<256xf32, #tpu.memory_space<hbm>>) target(%arg9 : memref<256xf32, #tpu.memory_space<vmem>>) target_semaphore(%arg16 : memref<!tpu.dma_semaphore, #tpu.memory_space<semaphore_mem>>)
    %mul3A_23 = arith.constant 4096 : i32
    %mul3A_24 = arith.muli %arg0, %mul3A_23 : i32
    %add3A_25 = arith.addi %mul3A_24, %mul3A_0 : i32
    %dma_start3A_26 = tpu.memref_slice %arg4[%add3A_25] : memref<8192xf32, #tpu.memory_space<hbm>> -> memref<256xf32, #tpu.memory_space<hbm>>
    %dma_start3A_27 = tpu.memref_slice %arg4[%add3A_25] : memref<8192xf32, #tpu.memory_space<hbm>> -> memref<256xf32, #tpu.memory_space<hbm>>
    tpu.enqueue_dma source(%dma_start3A_27 : memref<256xf32, #tpu.memory_space<hbm>>) target(%arg10 : memref<256xf32, #tpu.memory_space<vmem>>) target_semaphore(%arg16 : memref<!tpu.dma_semaphore, #tpu.memory_space<semaphore_mem>>)
    %eq3A = arith.constant 0 : i32
    %eq3A_28 = arith.cmpi eq, %arg1, %eq3A : i32
    %convert_element_type3A = arith.extui %eq3A_28 : i1 to i32
    %cond3A = arith.constant 0 : i32
    %cond3A_29 = arith.cmpi ne, %convert_element_type3A, %cond3A : i32
    scf.if %cond3A_29 {
      "tpu.region"() ({
        %run_scoped3A = tpu.sem_alloc : memref<!tpu.dma_semaphore, #tpu.memory_space<semaphore_mem>>
        tpu.enqueue_dma source(%arg6 : memref<65536xf32, #tpu.memory_space<hbm>>) target(%arg15 : memref<65536xf32, #tpu.memory_space<vmem_shared>>) target_semaphore(%run_scoped3A : memref<!tpu.dma_semaphore, #tpu.memory_space<semaphore_mem>>)
        tpu.wait_dma2 semaphore(%run_scoped3A : memref<!tpu.dma_semaphore, #tpu.memory_space<semaphore_mem>>) src(%arg6 : memref<65536xf32, #tpu.memory_space<hbm>>) dst(%arg15 : memref<65536xf32, #tpu.memory_space<vmem_shared>>)
        tpu.yield
      }) : () -> ()
    } else {
    }
    %dma_wait3A = tpu.memref_slice %arg5[%add3A] : memref<16384xi32, #tpu.memory_space<hbm>> -> memref<256xi32, #tpu.memory_space<hbm>>
    %dma_wait3A_30 = tpu.memref_slice %arg5[%add3A] : memref<16384xi32, #tpu.memory_space<hbm>> -> memref<256xi32, #tpu.memory_space<hbm>>
    tpu.wait_dma2 semaphore(%arg16 : memref<!tpu.dma_semaphore, #tpu.memory_space<semaphore_mem>>) src(%dma_wait3A_30 : memref<256xi32, #tpu.memory_space<hbm>>) dst(%arg11 : memref<256xi32, #tpu.memory_space<vmem>>)
    %dma_wait3A_31 = tpu.memref_slice %arg5[%add3A_12] : memref<16384xi32, #tpu.memory_space<hbm>> -> memref<256xi32, #tpu.memory_space<hbm>>
    %dma_wait3A_32 = tpu.memref_slice %arg5[%add3A_12] : memref<16384xi32, #tpu.memory_space<hbm>> -> memref<256xi32, #tpu.memory_space<hbm>>
    tpu.wait_dma2 semaphore(%arg16 : memref<!tpu.dma_semaphore, #tpu.memory_space<semaphore_mem>>) src(%dma_wait3A_32 : memref<256xi32, #tpu.memory_space<hbm>>) dst(%arg12 : memref<256xi32, #tpu.memory_space<vmem>>)
    %dma_wait3A_33 = tpu.memref_slice %arg2[%mul3A_16] : memref<512xf32, #tpu.memory_space<hbm>> -> memref<256xf32, #tpu.memory_space<hbm>>
    %dma_wait3A_34 = tpu.memref_slice %arg2[%mul3A_16] : memref<512xf32, #tpu.memory_space<hbm>> -> memref<256xf32, #tpu.memory_space<hbm>>
    tpu.wait_dma2 semaphore(%arg16 : memref<!tpu.dma_semaphore, #tpu.memory_space<semaphore_mem>>) src(%dma_wait3A_34 : memref<256xf32, #tpu.memory_space<hbm>>) dst(%arg8 : memref<256xf32, #tpu.memory_space<vmem>>)
    %dma_wait3A_35 = tpu.memref_slice %arg3[%mul3A_20] : memref<512xf32, #tpu.memory_space<hbm>> -> memref<256xf32, #tpu.memory_space<hbm>>
    %dma_wait3A_36 = tpu.memref_slice %arg3[%mul3A_20] : memref<512xf32, #tpu.memory_space<hbm>> -> memref<256xf32, #tpu.memory_space<hbm>>
    tpu.wait_dma2 semaphore(%arg16 : memref<!tpu.dma_semaphore, #tpu.memory_space<semaphore_mem>>) src(%dma_wait3A_36 : memref<256xf32, #tpu.memory_space<hbm>>) dst(%arg9 : memref<256xf32, #tpu.memory_space<vmem>>)
    %dma_wait3A_37 = tpu.memref_slice %arg4[%add3A_25] : memref<8192xf32, #tpu.memory_space<hbm>> -> memref<256xf32, #tpu.memory_space<hbm>>
    %dma_wait3A_38 = tpu.memref_slice %arg4[%add3A_25] : memref<8192xf32, #tpu.memory_space<hbm>> -> memref<256xf32, #tpu.memory_space<hbm>>
    tpu.wait_dma2 semaphore(%arg16 : memref<!tpu.dma_semaphore, #tpu.memory_space<semaphore_mem>>) src(%dma_wait3A_38 : memref<256xf32, #tpu.memory_space<hbm>>) dst(%arg10 : memref<256xf32, #tpu.memory_space<vmem>>)
    %scan3A = arith.constant 0 : i32
    %scan3A_39 = arith.constant 16 : i32
    %scan3A_40 = arith.addi %scan3A, %scan3A_39 : i32
    %scan3A_41 = arith.constant 1 : i32
    scf.for %scan3A_89 = %scan3A to %scan3A_40 step %scan3A_41  : i32 {
      %mul3A_90 = arith.constant 1 : i32
      %mul3A_91 = arith.muli %scan3A_89, %mul3A_90 : i32
      %add3A_92 = arith.constant 0 : i32
      %add3A_93 = arith.addi %add3A_92, %mul3A_91 : i32
      %mul3A_94 = arith.constant 16 : i32
      %mul3A_95 = arith.muli %add3A_93, %mul3A_94 : i32
      %get3A = arith.index_cast %mul3A_95 : i32 to index
      %get3A_96 = tpu.vector_load %arg11[%get3A] {strides = array<i32>} : memref<256xi32, #tpu.memory_space<vmem>>, vector<16xi32>,
      %mul3A_97 = arith.constant 16 : i32
      %mul3A_98 = arith.muli %add3A_93, %mul3A_97 : i32
      %get3A_99 = arith.index_cast %mul3A_98 : i32 to index
      %get3A_100 = tpu.vector_load %arg12[%get3A_99] {strides = array<i32>} : memref<256xi32, #tpu.memory_space<vmem>>, vector<16xi32>,
      %gather3A = tpu.vector_load_idx %arg8[%get3A_96] : memref<256xf32, #tpu.memory_space<vmem>>[vector<16xi32>], vector<16xf32>,
      %gather3A_101 = tpu.vector_load_idx %arg9[%get3A_100] : memref<256xf32, #tpu.memory_space<vmem>>[vector<16xi32>], vector<16xf32>,
      %add3A_102 = arith.addf %gather3A, %gather3A_101 : vector<16xf32>
      %mul3A_103 = arith.constant 16 : i32
      %mul3A_104 = arith.muli %add3A_93, %mul3A_103 : i32
      %get3A_105 = arith.index_cast %mul3A_104 : i32 to index
      %get3A_106 = tpu.vector_load %arg10[%get3A_105] {strides = array<i32>} : memref<256xf32, #tpu.memory_space<vmem>>, vector<16xf32>,
      %add3A_107 = arith.addf %add3A_102, %get3A_106 : vector<16xf32>
      %mul3A_108 = arith.constant 2.000000e-01 : f32
      %mul3A_109 = vector.broadcast %mul3A_108 : f32 to vector<16xf32>
      %mul3A_110 = arith.mulf %add3A_107, %mul3A_109 : vector<16xf32>
      %max3A = arith.maximumf %add3A_107, %mul3A_110 : vector<16xf32>
      %exp3A = math.exp %max3A : vector<16xf32>
      %jit3A = arith.constant 8 : i32
      %div3A = arith.divsi %add3A_93, %jit3A : i32
      %sign3A = arith.constant 0 : i32
      %sign3A_111 = arith.cmpi sgt, %add3A_93, %sign3A : i32
      %sign3A_112 = arith.extui %sign3A_111 : i1 to i32
      %sign3A_113 = arith.constant 0 : i32
      %sign3A_114 = arith.cmpi slt, %add3A_93, %sign3A_113 : i32
      %sign3A_115 = arith.extui %sign3A_114 : i1 to i32
      %sign3A_116 = arith.subi %sign3A_112, %sign3A_115 : i32
      %sign3A_117 = arith.constant 0 : i32
      %sign3A_118 = arith.cmpi sgt, %jit3A, %sign3A_117 : i32
      %sign3A_119 = arith.extui %sign3A_118 : i1 to i32
      %sign3A_120 = arith.constant 0 : i32
      %sign3A_121 = arith.cmpi slt, %jit3A, %sign3A_120 : i32
      %sign3A_122 = arith.extui %sign3A_121 : i1 to i32
      %sign3A_123 = arith.subi %sign3A_119, %sign3A_122 : i32
      %ne3A = arith.cmpi ne, %sign3A_116, %sign3A_123 : i32
      %rem3A = arith.remsi %add3A_93, %jit3A : i32
      %ne3A_124 = arith.constant 0 : i32
      %ne3A_125 = arith.cmpi ne, %rem3A, %ne3A_124 : i32
      %and3A = arith.andi %ne3A, %ne3A_125 : i1
      %sub3A = arith.constant 1 : i32
      %sub3A_126 = arith.subi %div3A, %sub3A : i32
      %select_n3A = arith.select %and3A, %sub3A_126, %div3A : i32
      %jit3A_127 = arith.constant 8 : i32
      %eq3A_128 = arith.constant 0 : i32
      %eq3A_129 = arith.cmpi eq, %jit3A_127, %eq3A_128 : i32
      %jit3A_130 = arith.constant 1 : i32
      %select_n3A_131 = arith.select %eq3A_129, %jit3A_130, %jit3A_127 : i32
      %rem3A_132 = arith.remsi %add3A_93, %select_n3A_131 : i32
      %ne3A_133 = arith.constant 0 : i32
      %ne3A_134 = arith.cmpi ne, %rem3A_132, %ne3A_133 : i32
      %lt3A = arith.constant 0 : i32
      %lt3A_135 = arith.cmpi slt, %rem3A_132, %lt3A : i32
      %lt3A_136 = arith.constant 0 : i32
      %lt3A_137 = arith.cmpi slt, %select_n3A_131, %lt3A_136 : i32
      %ne3A_138 = arith.xori %lt3A_135, %lt3A_137 : i1
      %and3A_139 = arith.andi %ne3A_138, %ne3A_134 : i1
      %add3A_140 = arith.addi %rem3A_132, %select_n3A_131 : i32
      %select_n3A_141 = arith.select %and3A_139, %add3A_140, %rem3A_132 : i32
      %mul3A_142 = arith.constant 16 : i32
      %mul3A_143 = arith.muli %select_n3A_141, %mul3A_142 : i32
      %swap3A = arith.index_cast %select_n3A : i32 to index
      %swap3A_144 = arith.index_cast %mul3A_143 : i32 to index
      %swap3A_145 = tpu.vector_load %arg13[%swap3A, %swap3A_144] {strides = array<i32>} : memref<2x128xf32, #tpu.memory_space<vmem>>, vector<16xf32>,
      tpu.vector_store %arg13[%swap3A, %swap3A_144], %exp3A {strides = array<i32>} : memref<2x128xf32, #tpu.memory_space<vmem>>, vector<16xf32>,
      %mul3A_146 = arith.constant 256 : i32
      %mul3A_147 = vector.broadcast %mul3A_146 : i32 to vector<16xi32>
      %mul3A_148 = arith.muli %get3A_100, %mul3A_147 : vector<16xi32>
      %add3A_149 = arith.addi %mul3A_148, %get3A_96 : vector<16xi32>
      %jit3A_150 = arith.constant 8 : i32
      %div3A_151 = arith.divsi %add3A_93, %jit3A_150 : i32
      %sign3A_152 = arith.constant 0 : i32
      %sign3A_153 = arith.cmpi sgt, %add3A_93, %sign3A_152 : i32
      %sign3A_154 = arith.extui %sign3A_153 : i1 to i32
      %sign3A_155 = arith.constant 0 : i32
      %sign3A_156 = arith.cmpi slt, %add3A_93, %sign3A_155 : i32
      %sign3A_157 = arith.extui %sign3A_156 : i1 to i32
      %sign3A_158 = arith.subi %sign3A_154, %sign3A_157 : i32
      %sign3A_159 = arith.constant 0 : i32
      %sign3A_160 = arith.cmpi sgt, %jit3A_150, %sign3A_159 : i32
      %sign3A_161 = arith.extui %sign3A_160 : i1 to i32
      %sign3A_162 = arith.constant 0 : i32
      %sign3A_163 = arith.cmpi slt, %jit3A_150, %sign3A_162 : i32
      %sign3A_164 = arith.extui %sign3A_163 : i1 to i32
      %sign3A_165 = arith.subi %sign3A_161, %sign3A_164 : i32
      %ne3A_166 = arith.cmpi ne, %sign3A_158, %sign3A_165 : i32
      %rem3A_167 = arith.remsi %add3A_93, %jit3A_150 : i32
      %ne3A_168 = arith.constant 0 : i32
      %ne3A_169 = arith.cmpi ne, %rem3A_167, %ne3A_168 : i32
      %and3A_170 = arith.andi %ne3A_166, %ne3A_169 : i1
      %sub3A_171 = arith.constant 1 : i32
      %sub3A_172 = arith.subi %div3A_151, %sub3A_171 : i32
      %select_n3A_173 = arith.select %and3A_170, %sub3A_172, %div3A_151 : i32
      %jit3A_174 = arith.constant 8 : i32
      %eq3A_175 = arith.constant 0 : i32
      %eq3A_176 = arith.cmpi eq, %jit3A_174, %eq3A_175 : i32
      %jit3A_177 = arith.constant 1 : i32
      %select_n3A_178 = arith.select %eq3A_176, %jit3A_177, %jit3A_174 : i32
      %rem3A_179 = arith.remsi %add3A_93, %select_n3A_178 : i32
      %ne3A_180 = arith.constant 0 : i32
      %ne3A_181 = arith.cmpi ne, %rem3A_179, %ne3A_180 : i32
      %lt3A_182 = arith.constant 0 : i32
      %lt3A_183 = arith.cmpi slt, %rem3A_179, %lt3A_182 : i32
      %lt3A_184 = arith.constant 0 : i32
      %lt3A_185 = arith.cmpi slt, %select_n3A_178, %lt3A_184 : i32
      %ne3A_186 = arith.xori %lt3A_183, %lt3A_185 : i1
      %and3A_187 = arith.andi %ne3A_186, %ne3A_181 : i1
      %add3A_188 = arith.addi %rem3A_179, %select_n3A_178 : i32
      %select_n3A_189 = arith.select %and3A_187, %add3A_188, %rem3A_179 : i32
      %mul3A_190 = arith.constant 16 : i32
      %mul3A_191 = arith.muli %select_n3A_189, %mul3A_190 : i32
      %swap3A_192 = arith.index_cast %select_n3A_173 : i32 to index
      %swap3A_193 = arith.index_cast %mul3A_191 : i32 to index
      %swap3A_194 = tpu.vector_load %arg14[%swap3A_192, %swap3A_193] {strides = array<i32>} : memref<2x128xi32, #tpu.memory_space<vmem>>, vector<16xi32>,
      tpu.vector_store %arg14[%swap3A_192, %swap3A_193], %add3A_149 {strides = array<i32>} : memref<2x128xi32, #tpu.memory_space<vmem>>, vector<16xi32>,
    }
    %scan3A_42 = arith.constant 16 : i32
    %barrier3A = arith.constant 0 : index
    tpu.barrier barrier_id(%barrier3A)
    %dma_start3A_43 = arith.constant 0 : i32
    %dma_start3A_44 = arith.constant 0 : i32
    %dma_start3A_45 = arith.constant 0 : i32
    %dma_start3A_46 = tpu.memref_slice %arg13[%dma_start3A_43, %dma_start3A_45] : memref<2x128xf32, #tpu.memory_space<vmem>> -> memref<1x128xf32, #tpu.memory_space<vmem>>
    %dma_start3A_47 = tpu.memref_squeeze %dma_start3A_46 : memref<1x128xf32, #tpu.memory_space<vmem>> -> memref<128xf32, #tpu.memory_space<vmem>>
    %dma_start3A_48 = arith.constant 0 : i32
    %dma_start3A_49 = tpu.memref_slice %arg14[%dma_start3A_44, %dma_start3A_48] : memref<2x128xi32, #tpu.memory_space<vmem>> -> memref<1x128xi32, #tpu.memory_space<vmem>>
    %dma_start3A_50 = tpu.memref_squeeze %dma_start3A_49 : memref<1x128xi32, #tpu.memory_space<vmem>> -> memref<128xi32, #tpu.memory_space<vmem>>
    %dma_start3A_51 = arith.constant 0 : i32
    %dma_start3A_52 = tpu.memref_slice %arg15[%dma_start3A_51] : memref<65536xf32, #tpu.memory_space<vmem_shared>> -> memref<65536xf32, #tpu.memory_space<vmem_shared>>
    tpu.enqueue_indirect_dma source(%dma_start3A_47 : memref<128xf32, #tpu.memory_space<vmem>>) target(%dma_start3A_52 : memref<65536xf32, #tpu.memory_space<vmem_shared>>) offsets(%dma_start3A_50 : memref<128xi32, #tpu.memory_space<vmem>>) semaphore(%arg17 : memref<!tpu.dma_semaphore, #tpu.memory_space<semaphore_mem>>) {add = true}
    %dma_start3A_53 = arith.constant 1 : i32
    %dma_start3A_54 = arith.constant 1 : i32
    %dma_start3A_55 = arith.constant 0 : i32
    %dma_start3A_56 = tpu.memref_slice %arg13[%dma_start3A_53, %dma_start3A_55] : memref<2x128xf32, #tpu.memory_space<vmem>> -> memref<1x128xf32, #tpu.memory_space<vmem>>
    %dma_start3A_57 = tpu.memref_squeeze %dma_start3A_56 : memref<1x128xf32, #tpu.memory_space<vmem>> -> memref<128xf32, #tpu.memory_space<vmem>>
    %dma_start3A_58 = arith.constant 0 : i32
    %dma_start3A_59 = tpu.memref_slice %arg14[%dma_start3A_54, %dma_start3A_58] : memref<2x128xi32, #tpu.memory_space<vmem>> -> memref<1x128xi32, #tpu.memory_space<vmem>>
    %dma_start3A_60 = tpu.memref_squeeze %dma_start3A_59 : memref<1x128xi32, #tpu.memory_space<vmem>> -> memref<128xi32, #tpu.memory_space<vmem>>
    %dma_start3A_61 = arith.constant 0 : i32
    %dma_start3A_62 = tpu.memref_slice %arg15[%dma_start3A_61] : memref<65536xf32, #tpu.memory_space<vmem_shared>> -> memref<65536xf32, #tpu.memory_space<vmem_shared>>
    tpu.enqueue_indirect_dma source(%dma_start3A_57 : memref<128xf32, #tpu.memory_space<vmem>>) target(%dma_start3A_62 : memref<65536xf32, #tpu.memory_space<vmem_shared>>) offsets(%dma_start3A_60 : memref<128xi32, #tpu.memory_space<vmem>>) semaphore(%arg17 : memref<!tpu.dma_semaphore, #tpu.memory_space<semaphore_mem>>) {add = true}
    %dma_wait3A_63 = arith.constant 0 : i32
    %dma_wait3A_64 = arith.constant 0 : i32
    %dma_wait3A_65 = arith.constant 0 : i32
    %dma_wait3A_66 = tpu.memref_slice %arg13[%dma_wait3A_63, %dma_wait3A_65] : memref<2x128xf32, #tpu.memory_space<vmem>> -> memref<1x128xf32, #tpu.memory_space<vmem>>
    %dma_wait3A_67 = tpu.memref_squeeze %dma_wait3A_66 : memref<1x128xf32, #tpu.memory_space<vmem>> -> memref<128xf32, #tpu.memory_space<vmem>>
    %dma_wait3A_68 = arith.constant 0 : i32
    %dma_wait3A_69 = tpu.memref_slice %arg14[%dma_wait3A_64, %dma_wait3A_68] : memref<2x128xi32, #tpu.memory_space<vmem>> -> memref<1x128xi32, #tpu.memory_space<vmem>>
    %dma_wait3A_70 = tpu.memref_squeeze %dma_wait3A_69 : memref<1x128xi32, #tpu.memory_space<vmem>> -> memref<128xi32, #tpu.memory_space<vmem>>
    %dma_wait3A_71 = arith.constant 0 : i32
    %dma_wait3A_72 = tpu.memref_slice %arg15[%dma_wait3A_71] : memref<65536xf32, #tpu.memory_space<vmem_shared>> -> memref<65536xf32, #tpu.memory_space<vmem_shared>>
    tpu.wait_indirect_dma semaphore(%arg17 : memref<!tpu.dma_semaphore, #tpu.memory_space<semaphore_mem>>) src(%dma_wait3A_67 : memref<128xf32, #tpu.memory_space<vmem>>) dst(%dma_wait3A_72 : memref<65536xf32, #tpu.memory_space<vmem_shared>>)
    %dma_wait3A_73 = arith.constant 1 : i32
    %dma_wait3A_74 = arith.constant 1 : i32
    %dma_wait3A_75 = arith.constant 0 : i32
    %dma_wait3A_76 = tpu.memref_slice %arg13[%dma_wait3A_73, %dma_wait3A_75] : memref<2x128xf32, #tpu.memory_space<vmem>> -> memref<1x128xf32, #tpu.memory_space<vmem>>
    %dma_wait3A_77 = tpu.memref_squeeze %dma_wait3A_76 : memref<1x128xf32, #tpu.memory_space<vmem>> -> memref<128xf32, #tpu.memory_space<vmem>>
    %dma_wait3A_78 = arith.constant 0 : i32
    %dma_wait3A_79 = tpu.memref_slice %arg14[%dma_wait3A_74, %dma_wait3A_78] : memref<2x128xi32, #tpu.memory_space<vmem>> -> memref<1x128xi32, #tpu.memory_space<vmem>>
    %dma_wait3A_80 = tpu.memref_squeeze %dma_wait3A_79 : memref<1x128xi32, #tpu.memory_space<vmem>> -> memref<128xi32, #tpu.memory_space<vmem>>
    %dma_wait3A_81 = arith.constant 0 : i32
    %dma_wait3A_82 = tpu.memref_slice %arg15[%dma_wait3A_81] : memref<65536xf32, #tpu.memory_space<vmem_shared>> -> memref<65536xf32, #tpu.memory_space<vmem_shared>>
    tpu.wait_indirect_dma semaphore(%arg17 : memref<!tpu.dma_semaphore, #tpu.memory_space<semaphore_mem>>) src(%dma_wait3A_77 : memref<128xf32, #tpu.memory_space<vmem>>) dst(%dma_wait3A_82 : memref<65536xf32, #tpu.memory_space<vmem_shared>>)
    %barrier3A_83 = arith.constant 0 : index
    tpu.barrier barrier_id(%barrier3A_83)
    %eq3A_84 = arith.constant 0 : i32
    %eq3A_85 = arith.cmpi eq, %arg1, %eq3A_84 : i32
    %convert_element_type3A_86 = arith.extui %eq3A_85 : i1 to i32
    %cond3A_87 = arith.constant 0 : i32
    %cond3A_88 = arith.cmpi ne, %convert_element_type3A_86, %cond3A_87 : i32
    scf.if %cond3A_88 {
      %mul3A_89 = arith.constant 256 : i32
      %mul3A_90 = arith.muli %arg0, %mul3A_89 : i32
      %mul3A_91 = arith.constant 256 : i32
      %mul3A_92 = arith.muli %mul3A_90, %mul3A_91 : i32
      "tpu.region"() ({
        %run_scoped3A = tpu.sem_alloc : memref<!tpu.dma_semaphore, #tpu.memory_space<semaphore_mem>>
        %dma_start3A_93 = tpu.memref_slice %arg7[%mul3A_92] : memref<131072xf32, #tpu.memory_space<hbm>> -> memref<65536xf32, #tpu.memory_space<hbm>>
        tpu.enqueue_dma source(%arg15 : memref<65536xf32, #tpu.memory_space<vmem_shared>>) target(%dma_start3A_93 : memref<65536xf32, #tpu.memory_space<hbm>>) target_semaphore(%run_scoped3A : memref<!tpu.dma_semaphore, #tpu.memory_space<semaphore_mem>>)
        %dma_wait3A_94 = tpu.memref_slice %arg7[%mul3A_92] : memref<131072xf32, #tpu.memory_space<hbm>> -> memref<65536xf32, #tpu.memory_space<hbm>>
        tpu.wait_dma2 semaphore(%run_scoped3A : memref<!tpu.dma_semaphore, #tpu.memory_space<semaphore_mem>>) src(%arg15 : memref<65536xf32, #tpu.memory_space<vmem_shared>>) dst(%dma_wait3A_94 : memref<65536xf32, #tpu.memory_space<hbm>>)
        tpu.yield
      }) : () -> ()
    } else {
    }
    return
  }
}

#map = affine_map<(d0, d1) -> (0)>
module attributes {stable_mosaic.version = 14 : i64} {
  func.func @k(%arg0: i32, %arg1: i32, %arg2: memref<512xf32, #tpu.memory_space<hbm>>, %arg3: memref<512xf32, #tpu.memory_space<hbm>>, %arg4: memref<8192xf32, #tpu.memory_space<hbm>>, %arg5: memref<16384xi32, #tpu.memory_space<hbm>>, %arg6: memref<65536xf32, #tpu.memory_space<hbm>>, %arg7: memref<131072xf32, #tpu.memory_space<hbm>>, %arg8: memref<256xf32, #tpu.memory_space<vmem>>, %arg9: memref<256xf32, #tpu.memory_space<vmem>>, %arg10: memref<256xf32, #tpu.memory_space<vmem>>, %arg11: memref<256xi32, #tpu.memory_space<vmem>>, %arg12: memref<256xi32, #tpu.memory_space<vmem>>, %arg13: memref<2x128xf32, #tpu.memory_space<vmem>>, %arg14: memref<2x128xi32, #tpu.memory_space<vmem>>, %arg15: memref<65536xf32, #tpu.memory_space<vmem_shared>>, %arg16: memref<!tpu.dma_semaphore, #tpu.memory_space<semaphore_mem>>, %arg17: memref<!tpu.dma_semaphore, #tpu.memory_space<semaphore_mem>>) attributes {dimension_semantics = [#tpu.dimension_semantics<core_parallel>, #tpu.dimension_semantics<subcore_parallel>], iteration_bounds = array<i64: 2, 16>, scalar_prefetch = 0 : i64, scratch_operands = 10 : i64, tpu.core_type = #tpu.core_type<sc_vector_subcore>, window_params = [{transform_indices = #map}, {transform_indices = #map}, {transform_indices = #map}, {transform_indices = #map}, {transform_indices = #map}, {transform_indices = #map}]} {
    %mul3A = arith.constant 256 : i32
    %mul3A_0 = arith.muli %arg1, %mul3A : i32
    %mul3A_1 = arith.constant 2 : i32
    %mul3A_2 = arith.muli %arg0, %mul3A_1 : i32
    %mul3A_3 = arith.constant 4096 : i32
    %mul3A_4 = arith.muli %mul3A_2, %mul3A_3 : i32
    %add3A = arith.addi %mul3A_4, %mul3A_0 : i32
    %dma_start3A = tpu.memref_slice %arg5[%add3A] : memref<16384xi32, #tpu.memory_space<hbm>> -> memref<256xi32, #tpu.memory_space<hbm>>
    %dma_start3A_5 = tpu.memref_slice %arg5[%add3A] : memref<16384xi32, #tpu.memory_space<hbm>> -> memref<256xi32, #tpu.memory_space<hbm>>
    tpu.enqueue_dma source(%dma_start3A_5 : memref<256xi32, #tpu.memory_space<hbm>>) target(%arg11 : memref<256xi32, #tpu.memory_space<vmem>>) target_semaphore(%arg16 : memref<!tpu.dma_semaphore, #tpu.memory_space<semaphore_mem>>)
    %mul3A_6 = arith.constant 2 : i32
    %mul3A_7 = arith.muli %arg0, %mul3A_6 : i32
    %mul3A_8 = arith.constant 4096 : i32
    %mul3A_9 = arith.muli %mul3A_7, %mul3A_8 : i32
    %add3A_10 = arith.constant 4096 : i32
    %add3A_11 = arith.addi %mul3A_9, %add3A_10 : i32
    %add3A_12 = arith.addi %add3A_11, %mul3A_0 : i32
    %dma_start3A_13 = tpu.memref_slice %arg5[%add3A_12] : memref<16384xi32, #tpu.memory_space<hbm>> -> memref<256xi32, #tpu.memory_space<hbm>>
    %dma_start3A_14 = tpu.memref_slice %arg5[%add3A_12] : memref<16384xi32, #tpu.memory_space<hbm>> -> memref<256xi32, #tpu.memory_space<hbm>>
    tpu.enqueue_dma source(%dma_start3A_14 : memref<256xi32, #tpu.memory_space<hbm>>) target(%arg12 : memref<256xi32, #tpu.memory_space<vmem>>) target_semaphore(%arg16 : memref<!tpu.dma_semaphore, #tpu.memory_space<semaphore_mem>>)
    %mul3A_15 = arith.constant 256 : i32
    %mul3A_16 = arith.muli %arg0, %mul3A_15 : i32
    %dma_start3A_17 = tpu.memref_slice %arg2[%mul3A_16] : memref<512xf32, #tpu.memory_space<hbm>> -> memref<256xf32, #tpu.memory_space<hbm>>
    %dma_start3A_18 = tpu.memref_slice %arg2[%mul3A_16] : memref<512xf32, #tpu.memory_space<hbm>> -> memref<256xf32, #tpu.memory_space<hbm>>
    tpu.enqueue_dma source(%dma_start3A_18 : memref<256xf32, #tpu.memory_space<hbm>>) target(%arg8 : memref<256xf32, #tpu.memory_space<vmem>>) target_semaphore(%arg16 : memref<!tpu.dma_semaphore, #tpu.memory_space<semaphore_mem>>)
    %mul3A_19 = arith.constant 256 : i32
    %mul3A_20 = arith.muli %arg0, %mul3A_19 : i32
    %dma_start3A_21 = tpu.memref_slice %arg3[%mul3A_20] : memref<512xf32, #tpu.memory_space<hbm>> -> memref<256xf32, #tpu.memory_space<hbm>>
    %dma_start3A_22 = tpu.memref_slice %arg3[%mul3A_20] : memref<512xf32, #tpu.memory_space<hbm>> -> memref<256xf32, #tpu.memory_space<hbm>>
    tpu.enqueue_dma source(%dma_start3A_22 : memref<256xf32, #tpu.memory_space<hbm>>) target(%arg9 : memref<256xf32, #tpu.memory_space<vmem>>) target_semaphore(%arg16 : memref<!tpu.dma_semaphore, #tpu.memory_space<semaphore_mem>>)
    %mul3A_23 = arith.constant 4096 : i32
    %mul3A_24 = arith.muli %arg0, %mul3A_23 : i32
    %add3A_25 = arith.addi %mul3A_24, %mul3A_0 : i32
    %dma_start3A_26 = tpu.memref_slice %arg4[%add3A_25] : memref<8192xf32, #tpu.memory_space<hbm>> -> memref<256xf32, #tpu.memory_space<hbm>>
    %dma_start3A_27 = tpu.memref_slice %arg4[%add3A_25] : memref<8192xf32, #tpu.memory_space<hbm>> -> memref<256xf32, #tpu.memory_space<hbm>>
    tpu.enqueue_dma source(%dma_start3A_27 : memref<256xf32, #tpu.memory_space<hbm>>) target(%arg10 : memref<256xf32, #tpu.memory_space<vmem>>) target_semaphore(%arg16 : memref<!tpu.dma_semaphore, #tpu.memory_space<semaphore_mem>>)
    %eq3A = arith.constant 0 : i32
    %eq3A_28 = arith.cmpi eq, %arg1, %eq3A : i32
    %convert_element_type3A = arith.extui %eq3A_28 : i1 to i32
    %cond3A = arith.constant 0 : i32
    %cond3A_29 = arith.cmpi ne, %convert_element_type3A, %cond3A : i32
    scf.if %cond3A_29 {
      "tpu.region"() ({
        %run_scoped3A = tpu.sem_alloc : memref<!tpu.dma_semaphore, #tpu.memory_space<semaphore_mem>>
        tpu.enqueue_dma source(%arg6 : memref<65536xf32, #tpu.memory_space<hbm>>) target(%arg15 : memref<65536xf32, #tpu.memory_space<vmem_shared>>) target_semaphore(%run_scoped3A : memref<!tpu.dma_semaphore, #tpu.memory_space<semaphore_mem>>)
        tpu.wait_dma2 semaphore(%run_scoped3A : memref<!tpu.dma_semaphore, #tpu.memory_space<semaphore_mem>>) src(%arg6 : memref<65536xf32, #tpu.memory_space<hbm>>) dst(%arg15 : memref<65536xf32, #tpu.memory_space<vmem_shared>>)
        tpu.yield
      }) : () -> ()
    } else {
    }
    %dma_wait3A = tpu.memref_slice %arg5[%add3A] : memref<16384xi32, #tpu.memory_space<hbm>> -> memref<256xi32, #tpu.memory_space<hbm>>
    %dma_wait3A_30 = tpu.memref_slice %arg5[%add3A] : memref<16384xi32, #tpu.memory_space<hbm>> -> memref<256xi32, #tpu.memory_space<hbm>>
    tpu.wait_dma2 semaphore(%arg16 : memref<!tpu.dma_semaphore, #tpu.memory_space<semaphore_mem>>) src(%dma_wait3A_30 : memref<256xi32, #tpu.memory_space<hbm>>) dst(%arg11 : memref<256xi32, #tpu.memory_space<vmem>>)
    %dma_wait3A_31 = tpu.memref_slice %arg5[%add3A_12] : memref<16384xi32, #tpu.memory_space<hbm>> -> memref<256xi32, #tpu.memory_space<hbm>>
    %dma_wait3A_32 = tpu.memref_slice %arg5[%add3A_12] : memref<16384xi32, #tpu.memory_space<hbm>> -> memref<256xi32, #tpu.memory_space<hbm>>
    tpu.wait_dma2 semaphore(%arg16 : memref<!tpu.dma_semaphore, #tpu.memory_space<semaphore_mem>>) src(%dma_wait3A_32 : memref<256xi32, #tpu.memory_space<hbm>>) dst(%arg12 : memref<256xi32, #tpu.memory_space<vmem>>)
    %dma_wait3A_33 = tpu.memref_slice %arg2[%mul3A_16] : memref<512xf32, #tpu.memory_space<hbm>> -> memref<256xf32, #tpu.memory_space<hbm>>
    %dma_wait3A_34 = tpu.memref_slice %arg2[%mul3A_16] : memref<512xf32, #tpu.memory_space<hbm>> -> memref<256xf32, #tpu.memory_space<hbm>>
    tpu.wait_dma2 semaphore(%arg16 : memref<!tpu.dma_semaphore, #tpu.memory_space<semaphore_mem>>) src(%dma_wait3A_34 : memref<256xf32, #tpu.memory_space<hbm>>) dst(%arg8 : memref<256xf32, #tpu.memory_space<vmem>>)
    %dma_wait3A_35 = tpu.memref_slice %arg3[%mul3A_20] : memref<512xf32, #tpu.memory_space<hbm>> -> memref<256xf32, #tpu.memory_space<hbm>>
    %dma_wait3A_36 = tpu.memref_slice %arg3[%mul3A_20] : memref<512xf32, #tpu.memory_space<hbm>> -> memref<256xf32, #tpu.memory_space<hbm>>
    tpu.wait_dma2 semaphore(%arg16 : memref<!tpu.dma_semaphore, #tpu.memory_space<semaphore_mem>>) src(%dma_wait3A_36 : memref<256xf32, #tpu.memory_space<hbm>>) dst(%arg9 : memref<256xf32, #tpu.memory_space<vmem>>)
    %dma_wait3A_37 = tpu.memref_slice %arg4[%add3A_25] : memref<8192xf32, #tpu.memory_space<hbm>> -> memref<256xf32, #tpu.memory_space<hbm>>
    %dma_wait3A_38 = tpu.memref_slice %arg4[%add3A_25] : memref<8192xf32, #tpu.memory_space<hbm>> -> memref<256xf32, #tpu.memory_space<hbm>>
    tpu.wait_dma2 semaphore(%arg16 : memref<!tpu.dma_semaphore, #tpu.memory_space<semaphore_mem>>) src(%dma_wait3A_38 : memref<256xf32, #tpu.memory_space<hbm>>) dst(%arg10 : memref<256xf32, #tpu.memory_space<vmem>>)
    %scan3A = arith.constant 0 : i32
    %scan3A_39 = arith.constant 16 : i32
    %scan3A_40 = arith.addi %scan3A, %scan3A_39 : i32
    %scan3A_41 = arith.constant 1 : i32
    scf.for %scan3A_89 = %scan3A to %scan3A_40 step %scan3A_41  : i32 {
      %mul3A_90 = arith.constant 1 : i32
      %mul3A_91 = arith.muli %scan3A_89, %mul3A_90 : i32
      %add3A_92 = arith.constant 0 : i32
      %add3A_93 = arith.addi %add3A_92, %mul3A_91 : i32
      %mul3A_94 = arith.constant 16 : i32
      %mul3A_95 = arith.muli %add3A_93, %mul3A_94 : i32
      %get3A = arith.index_cast %mul3A_95 : i32 to index
      %get3A_96 = tpu.vector_load %arg11[%get3A] {strides = array<i32>} : memref<256xi32, #tpu.memory_space<vmem>>, vector<16xi32>,
      %mul3A_97 = arith.constant 16 : i32
      %mul3A_98 = arith.muli %add3A_93, %mul3A_97 : i32
      %get3A_99 = arith.index_cast %mul3A_98 : i32 to index
      %get3A_100 = tpu.vector_load %arg12[%get3A_99] {strides = array<i32>} : memref<256xi32, #tpu.memory_space<vmem>>, vector<16xi32>,
      %gather3A = tpu.vector_load_idx %arg8[%get3A_96] : memref<256xf32, #tpu.memory_space<vmem>>[vector<16xi32>], vector<16xf32>,
      %gather3A_101 = tpu.vector_load_idx %arg9[%get3A_100] : memref<256xf32, #tpu.memory_space<vmem>>[vector<16xi32>], vector<16xf32>,
      %add3A_102 = arith.addf %gather3A, %gather3A_101 : vector<16xf32>
      %mul3A_103 = arith.constant 16 : i32
      %mul3A_104 = arith.muli %add3A_93, %mul3A_103 : i32
      %get3A_105 = arith.index_cast %mul3A_104 : i32 to index
      %get3A_106 = tpu.vector_load %arg10[%get3A_105] {strides = array<i32>} : memref<256xf32, #tpu.memory_space<vmem>>, vector<16xf32>,
      %add3A_107 = arith.addf %add3A_102, %get3A_106 : vector<16xf32>
      %mul3A_108 = arith.constant 2.000000e-01 : f32
      %mul3A_109 = vector.broadcast %mul3A_108 : f32 to vector<16xf32>
      %mul3A_110 = arith.mulf %add3A_107, %mul3A_109 : vector<16xf32>
      %max3A = arith.maximumf %add3A_107, %mul3A_110 : vector<16xf32>
      %exp3A = math.exp %max3A : vector<16xf32>
      %jit3A = arith.constant 8 : i32
      %div3A = arith.divsi %add3A_93, %jit3A : i32
      %sign3A = arith.constant 0 : i32
      %sign3A_111 = arith.cmpi sgt, %add3A_93, %sign3A : i32
      %sign3A_112 = arith.extui %sign3A_111 : i1 to i32
      %sign3A_113 = arith.constant 0 : i32
      %sign3A_114 = arith.cmpi slt, %add3A_93, %sign3A_113 : i32
      %sign3A_115 = arith.extui %sign3A_114 : i1 to i32
      %sign3A_116 = arith.subi %sign3A_112, %sign3A_115 : i32
      %sign3A_117 = arith.constant 0 : i32
      %sign3A_118 = arith.cmpi sgt, %jit3A, %sign3A_117 : i32
      %sign3A_119 = arith.extui %sign3A_118 : i1 to i32
      %sign3A_120 = arith.constant 0 : i32
      %sign3A_121 = arith.cmpi slt, %jit3A, %sign3A_120 : i32
      %sign3A_122 = arith.extui %sign3A_121 : i1 to i32
      %sign3A_123 = arith.subi %sign3A_119, %sign3A_122 : i32
      %ne3A = arith.cmpi ne, %sign3A_116, %sign3A_123 : i32
      %rem3A = arith.remsi %add3A_93, %jit3A : i32
      %ne3A_124 = arith.constant 0 : i32
      %ne3A_125 = arith.cmpi ne, %rem3A, %ne3A_124 : i32
      %and3A = arith.andi %ne3A, %ne3A_125 : i1
      %sub3A = arith.constant 1 : i32
      %sub3A_126 = arith.subi %div3A, %sub3A : i32
      %select_n3A = arith.select %and3A, %sub3A_126, %div3A : i32
      %jit3A_127 = arith.constant 8 : i32
      %eq3A_128 = arith.constant 0 : i32
      %eq3A_129 = arith.cmpi eq, %jit3A_127, %eq3A_128 : i32
      %jit3A_130 = arith.constant 1 : i32
      %select_n3A_131 = arith.select %eq3A_129, %jit3A_130, %jit3A_127 : i32
      %rem3A_132 = arith.remsi %add3A_93, %select_n3A_131 : i32
      %ne3A_133 = arith.constant 0 : i32
      %ne3A_134 = arith.cmpi ne, %rem3A_132, %ne3A_133 : i32
      %lt3A = arith.constant 0 : i32
      %lt3A_135 = arith.cmpi slt, %rem3A_132, %lt3A : i32
      %lt3A_136 = arith.constant 0 : i32
      %lt3A_137 = arith.cmpi slt, %select_n3A_131, %lt3A_136 : i32
      %ne3A_138 = arith.xori %lt3A_135, %lt3A_137 : i1
      %and3A_139 = arith.andi %ne3A_138, %ne3A_134 : i1
      %add3A_140 = arith.addi %rem3A_132, %select_n3A_131 : i32
      %select_n3A_141 = arith.select %and3A_139, %add3A_140, %rem3A_132 : i32
      %mul3A_142 = arith.constant 16 : i32
      %mul3A_143 = arith.muli %select_n3A_141, %mul3A_142 : i32
      %swap3A = arith.index_cast %select_n3A : i32 to index
      %swap3A_144 = arith.index_cast %mul3A_143 : i32 to index
      %swap3A_145 = tpu.vector_load %arg13[%swap3A, %swap3A_144] {strides = array<i32>} : memref<2x128xf32, #tpu.memory_space<vmem>>, vector<16xf32>,
      tpu.vector_store %arg13[%swap3A, %swap3A_144], %exp3A {strides = array<i32>} : memref<2x128xf32, #tpu.memory_space<vmem>>, vector<16xf32>,
      %mul3A_146 = arith.constant 256 : i32
      %mul3A_147 = vector.broadcast %mul3A_146 : i32 to vector<16xi32>
      %mul3A_148 = arith.muli %get3A_100, %mul3A_147 : vector<16xi32>
      %add3A_149 = arith.addi %mul3A_148, %get3A_96 : vector<16xi32>
      %jit3A_150 = arith.constant 8 : i32
      %div3A_151 = arith.divsi %add3A_93, %jit3A_150 : i32
      %sign3A_152 = arith.constant 0 : i32
      %sign3A_153 = arith.cmpi sgt, %add3A_93, %sign3A_152 : i32
      %sign3A_154 = arith.extui %sign3A_153 : i1 to i32
      %sign3A_155 = arith.constant 0 : i32
      %sign3A_156 = arith.cmpi slt, %add3A_93, %sign3A_155 : i32
      %sign3A_157 = arith.extui %sign3A_156 : i1 to i32
      %sign3A_158 = arith.subi %sign3A_154, %sign3A_157 : i32
      %sign3A_159 = arith.constant 0 : i32
      %sign3A_160 = arith.cmpi sgt, %jit3A_150, %sign3A_159 : i32
      %sign3A_161 = arith.extui %sign3A_160 : i1 to i32
      %sign3A_162 = arith.constant 0 : i32
      %sign3A_163 = arith.cmpi slt, %jit3A_150, %sign3A_162 : i32
      %sign3A_164 = arith.extui %sign3A_163 : i1 to i32
      %sign3A_165 = arith.subi %sign3A_161, %sign3A_164 : i32
      %ne3A_166 = arith.cmpi ne, %sign3A_158, %sign3A_165 : i32
      %rem3A_167 = arith.remsi %add3A_93, %jit3A_150 : i32
      %ne3A_168 = arith.constant 0 : i32
      %ne3A_169 = arith.cmpi ne, %rem3A_167, %ne3A_168 : i32
      %and3A_170 = arith.andi %ne3A_166, %ne3A_169 : i1
      %sub3A_171 = arith.constant 1 : i32
      %sub3A_172 = arith.subi %div3A_151, %sub3A_171 : i32
      %select_n3A_173 = arith.select %and3A_170, %sub3A_172, %div3A_151 : i32
      %jit3A_174 = arith.constant 8 : i32
      %eq3A_175 = arith.constant 0 : i32
      %eq3A_176 = arith.cmpi eq, %jit3A_174, %eq3A_175 : i32
      %jit3A_177 = arith.constant 1 : i32
      %select_n3A_178 = arith.select %eq3A_176, %jit3A_177, %jit3A_174 : i32
      %rem3A_179 = arith.remsi %add3A_93, %select_n3A_178 : i32
      %ne3A_180 = arith.constant 0 : i32
      %ne3A_181 = arith.cmpi ne, %rem3A_179, %ne3A_180 : i32
      %lt3A_182 = arith.constant 0 : i32
      %lt3A_183 = arith.cmpi slt, %rem3A_179, %lt3A_182 : i32
      %lt3A_184 = arith.constant 0 : i32
      %lt3A_185 = arith.cmpi slt, %select_n3A_178, %lt3A_184 : i32
      %ne3A_186 = arith.xori %lt3A_183, %lt3A_185 : i1
      %and3A_187 = arith.andi %ne3A_186, %ne3A_181 : i1
      %add3A_188 = arith.addi %rem3A_179, %select_n3A_178 : i32
      %select_n3A_189 = arith.select %and3A_187, %add3A_188, %rem3A_179 : i32
      %mul3A_190 = arith.constant 16 : i32
      %mul3A_191 = arith.muli %select_n3A_189, %mul3A_190 : i32
      %swap3A_192 = arith.index_cast %select_n3A_173 : i32 to index
      %swap3A_193 = arith.index_cast %mul3A_191 : i32 to index
      %swap3A_194 = tpu.vector_load %arg14[%swap3A_192, %swap3A_193] {strides = array<i32>} : memref<2x128xi32, #tpu.memory_space<vmem>>, vector<16xi32>,
      tpu.vector_store %arg14[%swap3A_192, %swap3A_193], %add3A_149 {strides = array<i32>} : memref<2x128xi32, #tpu.memory_space<vmem>>, vector<16xi32>,
    }
    %scan3A_42 = arith.constant 16 : i32
    %barrier3A = arith.constant 0 : index
    tpu.barrier barrier_id(%barrier3A)
    %dma_start3A_43 = arith.constant 0 : i32
    %dma_start3A_44 = arith.constant 0 : i32
    %dma_start3A_45 = arith.constant 0 : i32
    %dma_start3A_46 = tpu.memref_slice %arg13[%dma_start3A_43, %dma_start3A_45] : memref<2x128xf32, #tpu.memory_space<vmem>> -> memref<1x128xf32, #tpu.memory_space<vmem>>
    %dma_start3A_47 = tpu.memref_squeeze %dma_start3A_46 : memref<1x128xf32, #tpu.memory_space<vmem>> -> memref<128xf32, #tpu.memory_space<vmem>>
    %dma_start3A_48 = arith.constant 0 : i32
    %dma_start3A_49 = tpu.memref_slice %arg14[%dma_start3A_44, %dma_start3A_48] : memref<2x128xi32, #tpu.memory_space<vmem>> -> memref<1x128xi32, #tpu.memory_space<vmem>>
    %dma_start3A_50 = tpu.memref_squeeze %dma_start3A_49 : memref<1x128xi32, #tpu.memory_space<vmem>> -> memref<128xi32, #tpu.memory_space<vmem>>
    %dma_start3A_51 = arith.constant 0 : i32
    %dma_start3A_52 = tpu.memref_slice %arg15[%dma_start3A_51] : memref<65536xf32, #tpu.memory_space<vmem_shared>> -> memref<65536xf32, #tpu.memory_space<vmem_shared>>
    tpu.enqueue_indirect_dma source(%dma_start3A_47 : memref<128xf32, #tpu.memory_space<vmem>>) target(%dma_start3A_52 : memref<65536xf32, #tpu.memory_space<vmem_shared>>) offsets(%dma_start3A_50 : memref<128xi32, #tpu.memory_space<vmem>>) semaphore(%arg17 : memref<!tpu.dma_semaphore, #tpu.memory_space<semaphore_mem>>) {add = true}
    %dma_start3A_53 = arith.constant 1 : i32
    %dma_start3A_54 = arith.constant 1 : i32
    %dma_start3A_55 = arith.constant 0 : i32
    %dma_start3A_56 = tpu.memref_slice %arg13[%dma_start3A_53, %dma_start3A_55] : memref<2x128xf32, #tpu.memory_space<vmem>> -> memref<1x128xf32, #tpu.memory_space<vmem>>
    %dma_start3A_57 = tpu.memref_squeeze %dma_start3A_56 : memref<1x128xf32, #tpu.memory_space<vmem>> -> memref<128xf32, #tpu.memory_space<vmem>>
    %dma_start3A_58 = arith.constant 0 : i32
    %dma_start3A_59 = tpu.memref_slice %arg14[%dma_start3A_54, %dma_start3A_58] : memref<2x128xi32, #tpu.memory_space<vmem>> -> memref<1x128xi32, #tpu.memory_space<vmem>>
    %dma_start3A_60 = tpu.memref_squeeze %dma_start3A_59 : memref<1x128xi32, #tpu.memory_space<vmem>> -> memref<128xi32, #tpu.memory_space<vmem>>
    %dma_start3A_61 = arith.constant 0 : i32
    %dma_start3A_62 = tpu.memref_slice %arg15[%dma_start3A_61] : memref<65536xf32, #tpu.memory_space<vmem_shared>> -> memref<65536xf32, #tpu.memory_space<vmem_shared>>
    tpu.enqueue_indirect_dma source(%dma_start3A_57 : memref<128xf32, #tpu.memory_space<vmem>>) target(%dma_start3A_62 : memref<65536xf32, #tpu.memory_space<vmem_shared>>) offsets(%dma_start3A_60 : memref<128xi32, #tpu.memory_space<vmem>>) semaphore(%arg17 : memref<!tpu.dma_semaphore, #tpu.memory_space<semaphore_mem>>) {add = true}
    %dma_wait3A_63 = arith.constant 0 : i32
    %dma_wait3A_64 = arith.constant 0 : i32
    %dma_wait3A_65 = arith.constant 0 : i32
    %dma_wait3A_66 = tpu.memref_slice %arg13[%dma_wait3A_63, %dma_wait3A_65] : memref<2x128xf32, #tpu.memory_space<vmem>> -> memref<1x128xf32, #tpu.memory_space<vmem>>
    %dma_wait3A_67 = tpu.memref_squeeze %dma_wait3A_66 : memref<1x128xf32, #tpu.memory_space<vmem>> -> memref<128xf32, #tpu.memory_space<vmem>>
    %dma_wait3A_68 = arith.constant 0 : i32
    %dma_wait3A_69 = tpu.memref_slice %arg14[%dma_wait3A_64, %dma_wait3A_68] : memref<2x128xi32, #tpu.memory_space<vmem>> -> memref<1x128xi32, #tpu.memory_space<vmem>>
    %dma_wait3A_70 = tpu.memref_squeeze %dma_wait3A_69 : memref<1x128xi32, #tpu.memory_space<vmem>> -> memref<128xi32, #tpu.memory_space<vmem>>
    %dma_wait3A_71 = arith.constant 0 : i32
    %dma_wait3A_72 = tpu.memref_slice %arg15[%dma_wait3A_71] : memref<65536xf32, #tpu.memory_space<vmem_shared>> -> memref<65536xf32, #tpu.memory_space<vmem_shared>>
    tpu.wait_indirect_dma semaphore(%arg17 : memref<!tpu.dma_semaphore, #tpu.memory_space<semaphore_mem>>) src(%dma_wait3A_67 : memref<128xf32, #tpu.memory_space<vmem>>) dst(%dma_wait3A_72 : memref<65536xf32, #tpu.memory_space<vmem_shared>>)
    %dma_wait3A_73 = arith.constant 1 : i32
    %dma_wait3A_74 = arith.constant 1 : i32
    %dma_wait3A_75 = arith.constant 0 : i32
    %dma_wait3A_76 = tpu.memref_slice %arg13[%dma_wait3A_73, %dma_wait3A_75] : memref<2x128xf32, #tpu.memory_space<vmem>> -> memref<1x128xf32, #tpu.memory_space<vmem>>
    %dma_wait3A_77 = tpu.memref_squeeze %dma_wait3A_76 : memref<1x128xf32, #tpu.memory_space<vmem>> -> memref<128xf32, #tpu.memory_space<vmem>>
    %dma_wait3A_78 = arith.constant 0 : i32
    %dma_wait3A_79 = tpu.memref_slice %arg14[%dma_wait3A_74, %dma_wait3A_78] : memref<2x128xi32, #tpu.memory_space<vmem>> -> memref<1x128xi32, #tpu.memory_space<vmem>>
    %dma_wait3A_80 = tpu.memref_squeeze %dma_wait3A_79 : memref<1x128xi32, #tpu.memory_space<vmem>> -> memref<128xi32, #tpu.memory_space<vmem>>
    %dma_wait3A_81 = arith.constant 0 : i32
    %dma_wait3A_82 = tpu.memref_slice %arg15[%dma_wait3A_81] : memref<65536xf32, #tpu.memory_space<vmem_shared>> -> memref<65536xf32, #tpu.memory_space<vmem_shared>>
    tpu.wait_indirect_dma semaphore(%arg17 : memref<!tpu.dma_semaphore, #tpu.memory_space<semaphore_mem>>) src(%dma_wait3A_77 : memref<128xf32, #tpu.memory_space<vmem>>) dst(%dma_wait3A_82 : memref<65536xf32, #tpu.memory_space<vmem_shared>>)
    %barrier3A_83 = arith.constant 0 : index
    tpu.barrier barrier_id(%barrier3A_83)
    %eq3A_84 = arith.constant 0 : i32
    %eq3A_85 = arith.cmpi eq, %arg1, %eq3A_84 : i32
    %convert_element_type3A_86 = arith.extui %eq3A_85 : i1 to i32
    %cond3A_87 = arith.constant 0 : i32
    %cond3A_88 = arith.cmpi ne, %convert_element_type3A_86, %cond3A_87 : i32
    scf.if %cond3A_88 {
      %mul3A_89 = arith.constant 256 : i32
      %mul3A_90 = arith.muli %arg0, %mul3A_89 : i32
      %mul3A_91 = arith.constant 256 : i32
      %mul3A_92 = arith.muli %mul3A_90, %mul3A_91 : i32
      "tpu.region"() ({
        %run_scoped3A = tpu.sem_alloc : memref<!tpu.dma_semaphore, #tpu.memory_space<semaphore_mem>>
        %dma_start3A_93 = tpu.memref_slice %arg7[%mul3A_92] : memref<131072xf32, #tpu.memory_space<hbm>> -> memref<65536xf32, #tpu.memory_space<hbm>>
        tpu.enqueue_dma source(%arg15 : memref<65536xf32, #tpu.memory_space<vmem_shared>>) target(%dma_start3A_93 : memref<65536xf32, #tpu.memory_space<hbm>>) target_semaphore(%run_scoped3A : memref<!tpu.dma_semaphore, #tpu.memory_space<semaphore_mem>>)
        %dma_wait3A_94 = tpu.memref_slice %arg7[%mul3A_92] : memref<131072xf32, #tpu.memory_space<hbm>> -> memref<65536xf32, #tpu.memory_space<hbm>>
        tpu.wait_dma2 semaphore(%run_scoped3A : memref<!tpu.dma_semaphore, #tpu.memory_space<semaphore_mem>>) src(%arg15 : memref<65536xf32, #tpu.memory_space<vmem_shared>>) dst(%dma_wait3A_94 : memref<65536xf32, #tpu.memory_space<hbm>>)
        tpu.yield
      }) : () -> ()
    } else {
    }
    return
  }
}

module attributes {stable_mosaic.version = 14 : i64} {
  func.func @_pre_body(%arg0: i32, %arg1: memref<256x512xf32, #tpu.memory_space<vmem>>, %arg2: memref<512x512xf32, #tpu.memory_space<vmem>>, %arg3: memref<512xf32, #tpu.memory_space<vmem>>, %arg4: memref<512xf32, #tpu.memory_space<vmem>>, %arg5: memref<16x4096xf32, #tpu.memory_space<vmem>>, %arg6: memref<16x512xf32, #tpu.memory_space<vmem>>, %arg7: memref<512xf32, #tpu.memory_space<vmem>>, %arg8: memref<16x128xf32, #tpu.memory_space<vmem>>, %arg9: memref<128xf32, #tpu.memory_space<vmem>>, %arg10: memref<256x512xf32, #tpu.memory_space<vmem>>, %arg11: memref<512x512xf32, #tpu.memory_space<vmem>>, %arg12: memref<512xf32, #tpu.memory_space<vmem>>, %arg13: memref<512xf32, #tpu.memory_space<vmem>>, %arg14: memref<16x4096xf32, #tpu.memory_space<vmem>>, %arg15: memref<16x512xf32, #tpu.memory_space<vmem>>, %arg16: memref<512xf32, #tpu.memory_space<vmem>>, %arg17: memref<16x128xf32, #tpu.memory_space<vmem>>, %arg18: memref<128xf32, #tpu.memory_space<vmem>>, %arg19: memref<2x256x512xf32, #tpu.memory_space<vmem>>, %arg20: memref<512xf32, #tpu.memory_space<vmem>>, %arg21: memref<512xf32, #tpu.memory_space<vmem>>, %arg22: memref<8192xf32, #tpu.memory_space<vmem>>, %arg23: memref<8192xf32, #tpu.memory_space<vmem>>) attributes {dimension_semantics = [#tpu.dimension_semantics<arbitrary>], iteration_bounds = array<i64: 4>, scalar_prefetch = 0 : i64, scratch_operands = 0 : i64, tpu.core_type = #tpu.core_type<tc>, window_params = [{transform_indices = @transform_0, window_bounds = array<i64: 256, 512>}, {transform_indices = @transform_1, window_bounds = array<i64: 512, 512>}, {pipeline_mode = #tpu.pipeline_mode<synchronous>, transform_indices = @transform_2, window_bounds = array<i64: 512>}, {pipeline_mode = #tpu.pipeline_mode<synchronous>, transform_indices = @transform_3, window_bounds = array<i64: 512>}, {pipeline_mode = #tpu.pipeline_mode<synchronous>, transform_indices = @transform_4, window_bounds = array<i64: 16, 4096>}, {pipeline_mode = #tpu.pipeline_mode<synchronous>, transform_indices = @transform_5, window_bounds = array<i64: 16, 512>}, {pipeline_mode = #tpu.pipeline_mode<synchronous>, transform_indices = @transform_6, window_bounds = array<i64: 512>}, {pipeline_mode = #tpu.pipeline_mode<synchronous>, transform_indices = @transform_7, window_bounds = array<i64: 16, 128>}, {pipeline_mode = #tpu.pipeline_mode<synchronous>, transform_indices = @transform_8, window_bounds = array<i64: 128>}, {transform_indices = @transform_9, window_bounds = array<i64: 256, 512>}, {transform_indices = @transform_10, window_bounds = array<i64: 512, 512>}, {pipeline_mode = #tpu.pipeline_mode<synchronous>, transform_indices = @transform_11, window_bounds = array<i64: 512>}, {pipeline_mode = #tpu.pipeline_mode<synchronous>, transform_indices = @transform_12, window_bounds = array<i64: 512>}, {pipeline_mode = #tpu.pipeline_mode<synchronous>, transform_indices = @transform_13, window_bounds = array<i64: 16, 4096>}, {pipeline_mode = #tpu.pipeline_mode<synchronous>, transform_indices = @transform_14, window_bounds = array<i64: 16, 512>}, {pipeline_mode = #tpu.pipeline_mode<synchronous>, transform_indices = @transform_15, window_bounds = array<i64: 512>}, {pipeline_mode = #tpu.pipeline_mode<synchronous>, transform_indices = @transform_16, window_bounds = array<i64: 16, 128>}, {pipeline_mode = #tpu.pipeline_mode<synchronous>, transform_indices = @transform_17, window_bounds = array<i64: 128>}, {pipeline_mode = #tpu.pipeline_mode<synchronous>, transform_indices = @transform_18, window_bounds = array<i64: 2, 256, 512>}, {pipeline_mode = #tpu.pipeline_mode<synchronous>, transform_indices = @transform_19, window_bounds = array<i64: 512>}, {pipeline_mode = #tpu.pipeline_mode<synchronous>, transform_indices = @transform_20, window_bounds = array<i64: 512>}, {pipeline_mode = #tpu.pipeline_mode<synchronous>, transform_indices = @transform_21, window_bounds = array<i64: 8192>}, {pipeline_mode = #tpu.pipeline_mode<synchronous>, transform_indices = @transform_22, window_bounds = array<i64: 8192>}]} {
    %get3A = arith.constant 0 : index
    %get3A_0 = arith.constant 0 : index
    %get3A_1 = vector.load %arg1[%get3A, %get3A_0] : memref<256x512xf32, #tpu.memory_space<vmem>>, vector<256x512xf32>
    %get3A_2 = arith.constant 0 : index
    %get3A_3 = arith.constant 0 : index
    %get3A_4 = vector.load %arg2[%get3A_2, %get3A_3] : memref<512x512xf32, #tpu.memory_space<vmem>>, vector<512x512xf32>
    %dot_general3A = arith.constant dense<0.000000e+00> : vector<256x512xf32>
    %dot_general3A_5 = tpu.matmul %get3A_1, %get3A_4, %dot_general3A {dimension_numbers = #tpu.dot_dimension_numbers<[1], [0], [0], [1], [0, 0, 1, 1], [], []>, transpose_lhs_hint = false} : vector<256x512xf32>, vector<512x512xf32>, vector<256x512xf32> -> vector<256x512xf32>
    %eq3A = arith.constant 0 : i32
    %eq3A_6 = arith.cmpi eq, %arg0, %eq3A : i32
    %convert_element_type3A = arith.extui %eq3A_6 : i1 to i32
    %cond3A = arith.constant 0 : i32
    %cond3A_7 = arith.cmpi ne, %convert_element_type3A, %cond3A : i32
    scf.if %cond3A_7 {
      %swap3A = arith.constant 0 : index
      %swap3A_40 = arith.constant 0 : index
      %swap3A_41 = arith.constant 0 : index
      %swap3A_42 = vector.load %arg19[%swap3A, %swap3A_40, %swap3A_41] : memref<2x256x512xf32, #tpu.memory_space<vmem>>, vector<1x256x512xf32>
      %swap3A_43 = vector.shape_cast %swap3A_42 : vector<1x256x512xf32> to vector<256x512xf32>
      %swap3A_44 = vector.shape_cast %dot_general3A_5 : vector<256x512xf32> to vector<1x256x512xf32>
      tpu.vector_store %arg19[%swap3A, %swap3A_40, %swap3A_41], %swap3A_44 {strides = array<i32>} : memref<2x256x512xf32, #tpu.memory_space<vmem>>, vector<1x256x512xf32>,
    } else {
    }
    %gt3A = arith.constant 0 : i32
    %gt3A_8 = arith.cmpi sgt, %arg0, %gt3A : i32
    %convert_element_type3A_9 = arith.extui %gt3A_8 : i1 to i32
    %cond3A_10 = arith.constant 0 : i32
    %cond3A_11 = arith.cmpi ne, %convert_element_type3A_9, %cond3A_10 : i32
    scf.if %cond3A_11 {
      %get3A_40 = arith.constant 0 : index
      %get3A_41 = arith.constant 0 : index
      %get3A_42 = arith.constant 0 : index
      %get3A_43 = vector.load %arg19[%get3A_40, %get3A_41, %get3A_42] : memref<2x256x512xf32, #tpu.memory_space<vmem>>, vector<1x256x512xf32>
      %get3A_44 = vector.shape_cast %get3A_43 : vector<1x256x512xf32> to vector<256x512xf32>
      %add3A = arith.addf %get3A_44, %dot_general3A_5 : vector<256x512xf32>
      %swap3A = arith.constant 0 : index
      %swap3A_45 = arith.constant 0 : index
      %swap3A_46 = arith.constant 0 : index
      %swap3A_47 = vector.load %arg19[%swap3A, %swap3A_45, %swap3A_46] : memref<2x256x512xf32, #tpu.memory_space<vmem>>, vector<1x256x512xf32>
      %swap3A_48 = vector.shape_cast %swap3A_47 : vector<1x256x512xf32> to vector<256x512xf32>
      %swap3A_49 = vector.shape_cast %add3A : vector<256x512xf32> to vector<1x256x512xf32>
      tpu.vector_store %arg19[%swap3A, %swap3A_45, %swap3A_46], %swap3A_49 {strides = array<i32>} : memref<2x256x512xf32, #tpu.memory_space<vmem>>, vector<1x256x512xf32>,
    } else {
    }
    %get3A_12 = arith.constant 0 : index
    %get3A_13 = arith.constant 0 : index
    %get3A_14 = vector.load %arg10[%get3A_12, %get3A_13] : memref<256x512xf32, #tpu.memory_space<vmem>>, vector<256x512xf32>
    %get3A_15 = arith.constant 0 : index
    %get3A_16 = arith.constant 0 : index
    %get3A_17 = vector.load %arg11[%get3A_15, %get3A_16] : memref<512x512xf32, #tpu.memory_space<vmem>>, vector<512x512xf32>
    %dot_general3A_18 = arith.constant dense<0.000000e+00> : vector<256x512xf32>
    %dot_general3A_19 = tpu.matmul %get3A_14, %get3A_17, %dot_general3A_18 {dimension_numbers = #tpu.dot_dimension_numbers<[1], [0], [0], [1], [0, 0, 1, 1], [], []>, transpose_lhs_hint = false} : vector<256x512xf32>, vector<512x512xf32>, vector<256x512xf32> -> vector<256x512xf32>
    %eq3A_20 = arith.constant 0 : i32
    %eq3A_21 = arith.cmpi eq, %arg0, %eq3A_20 : i32
    %convert_element_type3A_22 = arith.extui %eq3A_21 : i1 to i32
    %cond3A_23 = arith.constant 0 : i32
    %cond3A_24 = arith.cmpi ne, %convert_element_type3A_22, %cond3A_23 : i32
    scf.if %cond3A_24 {
      %swap3A = arith.constant 1 : index
      %swap3A_40 = arith.constant 0 : index
      %swap3A_41 = arith.constant 0 : index
      %swap3A_42 = vector.load %arg19[%swap3A, %swap3A_40, %swap3A_41] : memref<2x256x512xf32, #tpu.memory_space<vmem>>, vector<1x256x512xf32>
      %swap3A_43 = vector.shape_cast %swap3A_42 : vector<1x256x512xf32> to vector<256x512xf32>
      %swap3A_44 = vector.shape_cast %dot_general3A_19 : vector<256x512xf32> to vector<1x256x512xf32>
      tpu.vector_store %arg19[%swap3A, %swap3A_40, %swap3A_41], %swap3A_44 {strides = array<i32>} : memref<2x256x512xf32, #tpu.memory_space<vmem>>, vector<1x256x512xf32>,
    } else {
    }
    %gt3A_25 = arith.constant 0 : i32
    %gt3A_26 = arith.cmpi sgt, %arg0, %gt3A_25 : i32
    %convert_element_type3A_27 = arith.extui %gt3A_26 : i1 to i32
    %cond3A_28 = arith.constant 0 : i32
    %cond3A_29 = arith.cmpi ne, %convert_element_type3A_27, %cond3A_28 : i32
    scf.if %cond3A_29 {
      %get3A_40 = arith.constant 1 : index
      %get3A_41 = arith.constant 0 : index
      %get3A_42 = arith.constant 0 : index
      %get3A_43 = vector.load %arg19[%get3A_40, %get3A_41, %get3A_42] : memref<2x256x512xf32, #tpu.memory_space<vmem>>, vector<1x256x512xf32>
      %get3A_44 = vector.shape_cast %get3A_43 : vector<1x256x512xf32> to vector<256x512xf32>
      %add3A = arith.addf %get3A_44, %dot_general3A_19 : vector<256x512xf32>
      %swap3A = arith.constant 1 : index
      %swap3A_45 = arith.constant 0 : index
      %swap3A_46 = arith.constant 0 : index
      %swap3A_47 = vector.load %arg19[%swap3A, %swap3A_45, %swap3A_46] : memref<2x256x512xf32, #tpu.memory_space<vmem>>, vector<1x256x512xf32>
      %swap3A_48 = vector.shape_cast %swap3A_47 : vector<1x256x512xf32> to vector<256x512xf32>
      %swap3A_49 = vector.shape_cast %add3A : vector<256x512xf32> to vector<1x256x512xf32>
      tpu.vector_store %arg19[%swap3A, %swap3A_45, %swap3A_46], %swap3A_49 {strides = array<i32>} : memref<2x256x512xf32, #tpu.memory_space<vmem>>, vector<1x256x512xf32>,
    } else {
    }
    %eq3A_30 = arith.constant 0 : i32
    %eq3A_31 = arith.cmpi eq, %arg0, %eq3A_30 : i32
    %convert_element_type3A_32 = arith.extui %eq3A_31 : i1 to i32
    %cond3A_33 = arith.constant 0 : i32
    %cond3A_34 = arith.cmpi ne, %convert_element_type3A_32, %cond3A_33 : i32
    scf.if %cond3A_34 {
      %get3A_40 = arith.constant 0 : index
      %get3A_41 = vector.load %arg7[%get3A_40] : memref<512xf32, #tpu.memory_space<vmem>>, vector<512xf32>
      %reshape3A = vector.shape_cast %get3A_41 : vector<512xf32> to vector<1x512xf32>
      %get3A_42 = arith.constant 0 : index
      %get3A_43 = arith.constant 0 : index
      %get3A_44 = vector.load %arg6[%get3A_42, %get3A_43] : memref<16x512xf32, #tpu.memory_space<vmem>>, vector<16x512xf32>
      %dot_general3A_45 = arith.constant dense<0.000000e+00> : vector<1x16xf32>
      %dot_general3A_46 = tpu.matmul %reshape3A, %get3A_44, %dot_general3A_45 {dimension_numbers = #tpu.dot_dimension_numbers<[1], [1], [0], [0], [0, 0, 1, 0], [], []>, transpose_lhs_hint = false} : vector<1x512xf32>, vector<16x512xf32>, vector<1x16xf32> -> vector<1x16xf32>
      %get3A_47 = arith.constant 0 : index
      %get3A_48 = vector.load %arg9[%get3A_47] : memref<128xf32, #tpu.memory_space<vmem>>, vector<128xf32>
      %reshape3A_49 = vector.shape_cast %get3A_48 : vector<128xf32> to vector<1x128xf32>
      %get3A_50 = arith.constant 0 : index
      %get3A_51 = arith.constant 0 : index
      %get3A_52 = vector.load %arg8[%get3A_50, %get3A_51] : memref<16x128xf32, #tpu.memory_space<vmem>>, vector<16x128xf32>
      %dot_general3A_53 = arith.constant dense<0.000000e+00> : vector<1x16xf32>
      %dot_general3A_54 = tpu.matmul %reshape3A_49, %get3A_52, %dot_general3A_53 {dimension_numbers = #tpu.dot_dimension_numbers<[1], [1], [0], [0], [0, 0, 1, 0], [], []>, transpose_lhs_hint = false} : vector<1x128xf32>, vector<16x128xf32>, vector<1x16xf32> -> vector<1x16xf32>
      %concatenate3A = tpu.concatenate %dot_general3A_46, %dot_general3A_54 in 0 : vector<1x16xf32>, vector<1x16xf32> -> vector<2x16xf32>
      %get3A_55 = arith.constant 0 : index
      %get3A_56 = arith.constant 0 : index
      %get3A_57 = vector.load %arg5[%get3A_55, %get3A_56] : memref<16x4096xf32, #tpu.memory_space<vmem>>, vector<16x4096xf32>
      %dot_general3A_58 = arith.constant dense<0.000000e+00> : vector<2x4096xf32>
      %dot_general3A_59 = tpu.matmul %concatenate3A, %get3A_57, %dot_general3A_58 {dimension_numbers = #tpu.dot_dimension_numbers<[1], [0], [0], [1], [0, 0, 1, 1], [], []>, transpose_lhs_hint = false} : vector<2x16xf32>, vector<16x4096xf32>, vector<2x4096xf32> -> vector<2x4096xf32>
      %slice3A = vector.extract_strided_slice %dot_general3A_59 {offsets = [0, 0], sizes = [1, 4096], strides = [1, 1]} : vector<2x4096xf32> to vector<1x4096xf32>
      %squeeze3A = vector.shape_cast %slice3A : vector<1x4096xf32> to vector<4096xf32>
      %swap3A = arith.constant 0 : index
      %swap3A_60 = vector.load %arg22[%swap3A] : memref<8192xf32, #tpu.memory_space<vmem>>, vector<4096xf32>
      tpu.vector_store %arg22[%swap3A], %squeeze3A {strides = array<i32>} : memref<8192xf32, #tpu.memory_space<vmem>>, vector<4096xf32>,
      %slice3A_61 = vector.extract_strided_slice %dot_general3A_59 {offsets = [1, 0], sizes = [1, 4096], strides = [1, 1]} : vector<2x4096xf32> to vector<1x4096xf32>
      %squeeze3A_62 = vector.shape_cast %slice3A_61 : vector<1x4096xf32> to vector<4096xf32>
      %swap3A_63 = arith.constant 0 : index
      %swap3A_64 = vector.load %arg23[%swap3A_63] : memref<8192xf32, #tpu.memory_space<vmem>>, vector<4096xf32>
      tpu.vector_store %arg23[%swap3A_63], %squeeze3A_62 {strides = array<i32>} : memref<8192xf32, #tpu.memory_space<vmem>>, vector<4096xf32>,
      %get3A_65 = arith.constant 0 : index
      %get3A_66 = vector.load %arg16[%get3A_65] : memref<512xf32, #tpu.memory_space<vmem>>, vector<512xf32>
      %reshape3A_67 = vector.shape_cast %get3A_66 : vector<512xf32> to vector<1x512xf32>
      %get3A_68 = arith.constant 0 : index
      %get3A_69 = arith.constant 0 : index
      %get3A_70 = vector.load %arg15[%get3A_68, %get3A_69] : memref<16x512xf32, #tpu.memory_space<vmem>>, vector<16x512xf32>
      %dot_general3A_71 = arith.constant dense<0.000000e+00> : vector<1x16xf32>
      %dot_general3A_72 = tpu.matmul %reshape3A_67, %get3A_70, %dot_general3A_71 {dimension_numbers = #tpu.dot_dimension_numbers<[1], [1], [0], [0], [0, 0, 1, 0], [], []>, transpose_lhs_hint = false} : vector<1x512xf32>, vector<16x512xf32>, vector<1x16xf32> -> vector<1x16xf32>
      %get3A_73 = arith.constant 0 : index
      %get3A_74 = vector.load %arg18[%get3A_73] : memref<128xf32, #tpu.memory_space<vmem>>, vector<128xf32>
      %reshape3A_75 = vector.shape_cast %get3A_74 : vector<128xf32> to vector<1x128xf32>
      %get3A_76 = arith.constant 0 : index
      %get3A_77 = arith.constant 0 : index
      %get3A_78 = vector.load %arg17[%get3A_76, %get3A_77] : memref<16x128xf32, #tpu.memory_space<vmem>>, vector<16x128xf32>
      %dot_general3A_79 = arith.constant dense<0.000000e+00> : vector<1x16xf32>
      %dot_general3A_80 = tpu.matmul %reshape3A_75, %get3A_78, %dot_general3A_79 {dimension_numbers = #tpu.dot_dimension_numbers<[1], [1], [0], [0], [0, 0, 1, 0], [], []>, transpose_lhs_hint = false} : vector<1x128xf32>, vector<16x128xf32>, vector<1x16xf32> -> vector<1x16xf32>
      %concatenate3A_81 = tpu.concatenate %dot_general3A_72, %dot_general3A_80 in 0 : vector<1x16xf32>, vector<1x16xf32> -> vector<2x16xf32>
      %get3A_82 = arith.constant 0 : index
      %get3A_83 = arith.constant 0 : index
      %get3A_84 = vector.load %arg14[%get3A_82, %get3A_83] : memref<16x4096xf32, #tpu.memory_space<vmem>>, vector<16x4096xf32>
      %dot_general3A_85 = arith.constant dense<0.000000e+00> : vector<2x4096xf32>
      %dot_general3A_86 = tpu.matmul %concatenate3A_81, %get3A_84, %dot_general3A_85 {dimension_numbers = #tpu.dot_dimension_numbers<[1], [0], [0], [1], [0, 0, 1, 1], [], []>, transpose_lhs_hint = false} : vector<2x16xf32>, vector<16x4096xf32>, vector<2x4096xf32> -> vector<2x4096xf32>
      %slice3A_87 = vector.extract_strided_slice %dot_general3A_86 {offsets = [0, 0], sizes = [1, 4096], strides = [1, 1]} : vector<2x4096xf32> to vector<1x4096xf32>
      %squeeze3A_88 = vector.shape_cast %slice3A_87 : vector<1x4096xf32> to vector<4096xf32>
      %swap3A_89 = arith.constant 4096 : index
      %swap3A_90 = vector.load %arg22[%swap3A_89] : memref<8192xf32, #tpu.memory_space<vmem>>, vector<4096xf32>
      tpu.vector_store %arg22[%swap3A_89], %squeeze3A_88 {strides = array<i32>} : memref<8192xf32, #tpu.memory_space<vmem>>, vector<4096xf32>,
      %slice3A_91 = vector.extract_strided_slice %dot_general3A_86 {offsets = [1, 0], sizes = [1, 4096], strides = [1, 1]} : vector<2x4096xf32> to vector<1x4096xf32>
      %squeeze3A_92 = vector.shape_cast %slice3A_91 : vector<1x4096xf32> to vector<4096xf32>
      %swap3A_93 = arith.constant 4096 : index
      %swap3A_94 = vector.load %arg23[%swap3A_93] : memref<8192xf32, #tpu.memory_space<vmem>>, vector<4096xf32>
      tpu.vector_store %arg23[%swap3A_93], %squeeze3A_92 {strides = array<i32>} : memref<8192xf32, #tpu.memory_space<vmem>>, vector<4096xf32>,
    } else {
    }
    %eq3A_35 = arith.constant 3 : i32
    %eq3A_36 = arith.cmpi eq, %arg0, %eq3A_35 : i32
    %convert_element_type3A_37 = arith.extui %eq3A_36 : i1 to i32
    %cond3A_38 = arith.constant 0 : i32
    %cond3A_39 = arith.cmpi ne, %convert_element_type3A_37, %cond3A_38 : i32
    scf.if %cond3A_39 {
      %get3A_40 = arith.constant 0 : index
      %get3A_41 = vector.load %arg3[%get3A_40] : memref<512xf32, #tpu.memory_space<vmem>>, vector<512xf32>
      %reshape3A = vector.shape_cast %get3A_41 : vector<512xf32> to vector<1x512xf32>
      %get3A_42 = arith.constant 0 : index
      %get3A_43 = vector.load %arg4[%get3A_42] : memref<512xf32, #tpu.memory_space<vmem>>, vector<512xf32>
      %reshape3A_44 = vector.shape_cast %get3A_43 : vector<512xf32> to vector<1x512xf32>
      %concatenate3A = tpu.concatenate %reshape3A, %reshape3A_44 in 0 : vector<1x512xf32>, vector<1x512xf32> -> vector<2x512xf32>
      %get3A_45 = arith.constant 0 : index
      %get3A_46 = arith.constant 0 : index
      %get3A_47 = arith.constant 0 : index
      %get3A_48 = vector.load %arg19[%get3A_45, %get3A_46, %get3A_47] : memref<2x256x512xf32, #tpu.memory_space<vmem>>, vector<1x256x512xf32>
      %get3A_49 = vector.shape_cast %get3A_48 : vector<1x256x512xf32> to vector<256x512xf32>
      %dot_general3A_50 = arith.constant dense<0.000000e+00> : vector<2x256xf32>
      %dot_general3A_51 = tpu.matmul %concatenate3A, %get3A_49, %dot_general3A_50 {dimension_numbers = #tpu.dot_dimension_numbers<[1], [1], [0], [0], [0, 0, 1, 0], [], []>, transpose_lhs_hint = false} : vector<2x512xf32>, vector<256x512xf32>, vector<2x256xf32> -> vector<2x256xf32>
      %slice3A = vector.extract_strided_slice %dot_general3A_51 {offsets = [0, 0], sizes = [1, 256], strides = [1, 1]} : vector<2x256xf32> to vector<1x256xf32>
      %squeeze3A = vector.shape_cast %slice3A : vector<1x256xf32> to vector<256xf32>
      %swap3A = arith.constant 0 : index
      %swap3A_52 = vector.load %arg20[%swap3A] : memref<512xf32, #tpu.memory_space<vmem>>, vector<256xf32>
      tpu.vector_store %arg20[%swap3A], %squeeze3A {strides = array<i32>} : memref<512xf32, #tpu.memory_space<vmem>>, vector<256xf32>,
      %slice3A_53 = vector.extract_strided_slice %dot_general3A_51 {offsets = [1, 0], sizes = [1, 256], strides = [1, 1]} : vector<2x256xf32> to vector<1x256xf32>
      %squeeze3A_54 = vector.shape_cast %slice3A_53 : vector<1x256xf32> to vector<256xf32>
      %swap3A_55 = arith.constant 0 : index
      %swap3A_56 = vector.load %arg21[%swap3A_55] : memref<512xf32, #tpu.memory_space<vmem>>, vector<256xf32>
      tpu.vector_store %arg21[%swap3A_55], %squeeze3A_54 {strides = array<i32>} : memref<512xf32, #tpu.memory_space<vmem>>, vector<256xf32>,
      %get3A_57 = arith.constant 0 : index
      %get3A_58 = vector.load %arg12[%get3A_57] : memref<512xf32, #tpu.memory_space<vmem>>, vector<512xf32>
      %reshape3A_59 = vector.shape_cast %get3A_58 : vector<512xf32> to vector<1x512xf32>
      %get3A_60 = arith.constant 0 : index
      %get3A_61 = vector.load %arg13[%get3A_60] : memref<512xf32, #tpu.memory_space<vmem>>, vector<512xf32>
      %reshape3A_62 = vector.shape_cast %get3A_61 : vector<512xf32> to vector<1x512xf32>
      %concatenate3A_63 = tpu.concatenate %reshape3A_59, %reshape3A_62 in 0 : vector<1x512xf32>, vector<1x512xf32> -> vector<2x512xf32>
      %get3A_64 = arith.constant 1 : index
      %get3A_65 = arith.constant 0 : index
      %get3A_66 = arith.constant 0 : index
      %get3A_67 = vector.load %arg19[%get3A_64, %get3A_65, %get3A_66] : memref<2x256x512xf32, #tpu.memory_space<vmem>>, vector<1x256x512xf32>
      %get3A_68 = vector.shape_cast %get3A_67 : vector<1x256x512xf32> to vector<256x512xf32>
      %dot_general3A_69 = arith.constant dense<0.000000e+00> : vector<2x256xf32>
      %dot_general3A_70 = tpu.matmul %concatenate3A_63, %get3A_68, %dot_general3A_69 {dimension_numbers = #tpu.dot_dimension_numbers<[1], [1], [0], [0], [0, 0, 1, 0], [], []>, transpose_lhs_hint = false} : vector<2x512xf32>, vector<256x512xf32>, vector<2x256xf32> -> vector<2x256xf32>
      %slice3A_71 = vector.extract_strided_slice %dot_general3A_70 {offsets = [0, 0], sizes = [1, 256], strides = [1, 1]} : vector<2x256xf32> to vector<1x256xf32>
      %squeeze3A_72 = vector.shape_cast %slice3A_71 : vector<1x256xf32> to vector<256xf32>
      %swap3A_73 = arith.constant 256 : index
      %swap3A_74 = vector.load %arg20[%swap3A_73] : memref<512xf32, #tpu.memory_space<vmem>>, vector<256xf32>
      tpu.vector_store %arg20[%swap3A_73], %squeeze3A_72 {strides = array<i32>} : memref<512xf32, #tpu.memory_space<vmem>>, vector<256xf32>,
      %slice3A_75 = vector.extract_strided_slice %dot_general3A_70 {offsets = [1, 0], sizes = [1, 256], strides = [1, 1]} : vector<2x256xf32> to vector<1x256xf32>
      %squeeze3A_76 = vector.shape_cast %slice3A_75 : vector<1x256xf32> to vector<256xf32>
      %swap3A_77 = arith.constant 256 : index
      %swap3A_78 = vector.load %arg21[%swap3A_77] : memref<512xf32, #tpu.memory_space<vmem>>, vector<256xf32>
      tpu.vector_store %arg21[%swap3A_77], %squeeze3A_76 {strides = array<i32>} : memref<512xf32, #tpu.memory_space<vmem>>, vector<256xf32>,
    } else {
    }
    return
  }
  func.func @transform_0(%arg0: i32) -> (i32, i32) {
    %c0_i32 = arith.constant 0 : i32
    %c0_i32_0 = arith.constant 0 : i32
    return %c0_i32, %arg0 : i32, i32
  }
  func.func @transform_1(%arg0: i32) -> (i32, i32) {
    %c0_i32 = arith.constant 0 : i32
    %c0_i32_0 = arith.constant 0 : i32
    return %arg0, %c0_i32 : i32, i32
  }
  func.func @transform_2(%arg0: i32) -> i32 {
    %c0_i32 = arith.constant 0 : i32
    %c0_i32_0 = arith.constant 0 : i32
    return %c0_i32 : i32
  }
  func.func @transform_3(%arg0: i32) -> i32 {
    %c0_i32 = arith.constant 0 : i32
    %c0_i32_0 = arith.constant 0 : i32
    return %c0_i32 : i32
  }
  func.func @transform_4(%arg0: i32) -> (i32, i32) {
    %c0_i32 = arith.constant 0 : i32
    %c0_i32_0 = arith.constant 0 : i32
    %c0_i32_1 = arith.constant 0 : i32
    return %c0_i32, %c0_i32_0 : i32, i32
  }
  func.func @transform_5(%arg0: i32) -> (i32, i32) {
    %c0_i32 = arith.constant 0 : i32
    %c0_i32_0 = arith.constant 0 : i32
    %c0_i32_1 = arith.constant 0 : i32
    return %c0_i32, %c0_i32_0 : i32, i32
  }
  func.func @transform_6(%arg0: i32) -> i32 {
    %c0_i32 = arith.constant 0 : i32
    %c0_i32_0 = arith.constant 0 : i32
    return %c0_i32 : i32
  }
  func.func @transform_7(%arg0: i32) -> (i32, i32) {
    %c0_i32 = arith.constant 0 : i32
    %c0_i32_0 = arith.constant 0 : i32
    %c0_i32_1 = arith.constant 0 : i32
    return %c0_i32, %c0_i32_0 : i32, i32
  }
  func.func @transform_8(%arg0: i32) -> i32 {
    %c0_i32 = arith.constant 0 : i32
    %c0_i32_0 = arith.constant 0 : i32
    return %c0_i32 : i32
  }
  func.func @transform_9(%arg0: i32) -> (i32, i32) {
    %c0_i32 = arith.constant 0 : i32
    %c0_i32_0 = arith.constant 0 : i32
    return %c0_i32, %arg0 : i32, i32
  }
  func.func @transform_10(%arg0: i32) -> (i32, i32) {
    %c0_i32 = arith.constant 0 : i32
    %c0_i32_0 = arith.constant 0 : i32
    return %arg0, %c0_i32 : i32, i32
  }
  func.func @transform_11(%arg0: i32) -> i32 {
    %c0_i32 = arith.constant 0 : i32
    %c0_i32_0 = arith.constant 0 : i32
    return %c0_i32 : i32
  }
  func.func @transform_12(%arg0: i32) -> i32 {
    %c0_i32 = arith.constant 0 : i32
    %c0_i32_0 = arith.constant 0 : i32
    return %c0_i32 : i32
  }
  func.func @transform_13(%arg0: i32) -> (i32, i32) {
    %c0_i32 = arith.constant 0 : i32
    %c0_i32_0 = arith.constant 0 : i32
    %c0_i32_1 = arith.constant 0 : i32
    return %c0_i32, %c0_i32_0 : i32, i32
  }
  func.func @transform_14(%arg0: i32) -> (i32, i32) {
    %c0_i32 = arith.constant 0 : i32
    %c0_i32_0 = arith.constant 0 : i32
    %c0_i32_1 = arith.constant 0 : i32
    return %c0_i32, %c0_i32_0 : i32, i32
  }
  func.func @transform_15(%arg0: i32) -> i32 {
    %c0_i32 = arith.constant 0 : i32
    %c0_i32_0 = arith.constant 0 : i32
    return %c0_i32 : i32
  }
  func.func @transform_16(%arg0: i32) -> (i32, i32) {
    %c0_i32 = arith.constant 0 : i32
    %c0_i32_0 = arith.constant 0 : i32
    %c0_i32_1 = arith.constant 0 : i32
    return %c0_i32, %c0_i32_0 : i32, i32
  }
  func.func @transform_17(%arg0: i32) -> i32 {
    %c0_i32 = arith.constant 0 : i32
    %c0_i32_0 = arith.constant 0 : i32
    return %c0_i32 : i32
  }
  func.func @transform_18(%arg0: i32) -> (i32, i32, i32) {
    %c0_i32 = arith.constant 0 : i32
    %c0_i32_0 = arith.constant 0 : i32
    %c0_i32_1 = arith.constant 0 : i32
    %c0_i32_2 = arith.constant 0 : i32
    return %c0_i32, %c0_i32_0, %c0_i32_1 : i32, i32, i32
  }
  func.func @transform_19(%arg0: i32) -> i32 {
    %c0_i32 = arith.constant 0 : i32
    %c0_i32_0 = arith.constant 0 : i32
    return %c0_i32 : i32
  }
  func.func @transform_20(%arg0: i32) -> i32 {
    %c0_i32 = arith.constant 0 : i32
    %c0_i32_0 = arith.constant 0 : i32
    return %c0_i32 : i32
  }
  func.func @transform_21(%arg0: i32) -> i32 {
    %c0_i32 = arith.constant 0 : i32
    %c0_i32_0 = arith.constant 0 : i32
    return %c0_i32 : i32
  }
  func.func @transform_22(%arg0: i32) -> i32 {
    %c0_i32 = arith.constant 0 : i32
    %c0_i32_0 = arith.constant 0 : i32
    return %c0_i32 : i32
  }
}

module attributes {stable_mosaic.version = 14 : i64} {
  func.func @_mid_body(%arg0: memref<2x256x256xf32, #tpu.memory_space<vmem>>, %arg1: memref<2x256x512xf32, #tpu.memory_space<vmem>>, %arg2: memref<512xf32, #tpu.memory_space<vmem>>, %arg3: memref<512xf32, #tpu.memory_space<vmem>>, %arg4: memref<512x128xf32, #tpu.memory_space<vmem>>, %arg5: memref<512x128xf32, #tpu.memory_space<vmem>>, %arg6: memref<128xf32, #tpu.memory_space<vmem>>, %arg7: memref<128xf32, #tpu.memory_space<vmem>>, %arg8: memref<128xf32, #tpu.memory_space<vmem>>, %arg9: memref<128xf32, #tpu.memory_space<vmem>>, %arg10: memref<2x256x128xf32, #tpu.memory_space<vmem>>, %arg11: memref<512xf32, #tpu.memory_space<vmem>>, %arg12: memref<512xf32, #tpu.memory_space<vmem>>) attributes {dimension_semantics = [], scalar_prefetch = 0 : i64, scratch_operands = 0 : i64, tpu.core_type = #tpu.core_type<tc>} {
    %get3A = arith.constant 0 : index
    %get3A_0 = arith.constant 0 : index
    %get3A_1 = arith.constant 0 : index
    %get3A_2 = vector.load %arg0[%get3A, %get3A_0, %get3A_1] : memref<2x256x256xf32, #tpu.memory_space<vmem>>, vector<1x256x256xf32>
    %get3A_3 = vector.shape_cast %get3A_2 : vector<1x256x256xf32> to vector<256x256xf32>
    %reduce_sum3A = arith.constant dense<0.000000e+00> : vector<256xf32>
    %reduce_sum3A_4 = vector.multi_reduction <add>, %get3A_3, %reduce_sum3A [1] : vector<256x256xf32> to vector<256xf32>
    %broadcast_in_dim3A = vector.shape_cast %reduce_sum3A_4 : vector<256xf32> to vector<256x1xf32>
    %add3A = arith.constant 1.000000e-16 : f32
    %add3A_5 = vector.broadcast %add3A : f32 to vector<256x1xf32>
    %add3A_6 = arith.addf %broadcast_in_dim3A, %add3A_5 : vector<256x1xf32>
    %get3A_7 = arith.constant 0 : index
    %get3A_8 = arith.constant 0 : index
    %get3A_9 = arith.constant 0 : index
    %get3A_10 = vector.load %arg1[%get3A_7, %get3A_8, %get3A_9] : memref<2x256x512xf32, #tpu.memory_space<vmem>>, vector<1x256x512xf32>
    %get3A_11 = vector.shape_cast %get3A_10 : vector<1x256x512xf32> to vector<256x512xf32>
    %dot_general3A = arith.constant dense<0.000000e+00> : vector<256x512xf32>
    %dot_general3A_12 = tpu.matmul %get3A_3, %get3A_11, %dot_general3A {dimension_numbers = #tpu.dot_dimension_numbers<[1], [0], [0], [1], [0, 0, 1, 1], [], []>, transpose_lhs_hint = false} : vector<256x256xf32>, vector<256x512xf32>, vector<256x512xf32> -> vector<256x512xf32>
    %div3A = vector.broadcast %add3A_6 : vector<256x1xf32> to vector<256x512xf32>
    %div3A_13 = arith.divf %dot_general3A_12, %div3A : vector<256x512xf32>
    %get3A_14 = arith.constant 0 : index
    %get3A_15 = vector.load %arg2[%get3A_14] : memref<512xf32, #tpu.memory_space<vmem>>, vector<512xf32>
    %reshape3A = vector.shape_cast %get3A_15 : vector<512xf32> to vector<1x512xf32>
    %add3A_16 = vector.broadcast %reshape3A : vector<1x512xf32> to vector<256x512xf32>
    %add3A_17 = arith.addf %div3A_13, %add3A_16 : vector<256x512xf32>
    %max3A = arith.constant 0.000000e+00 : f32
    %max3A_18 = vector.broadcast %max3A : f32 to vector<256x512xf32>
    %max3A_19 = arith.maximumf %add3A_17, %max3A_18 : vector<256x512xf32>
    %get3A_20 = arith.constant 0 : index
    %get3A_21 = arith.constant 0 : index
    %get3A_22 = vector.load %arg4[%get3A_20, %get3A_21] : memref<512x128xf32, #tpu.memory_space<vmem>>, vector<512x128xf32>
    %dot_general3A_23 = arith.constant dense<0.000000e+00> : vector<256x128xf32>
    %dot_general3A_24 = tpu.matmul %max3A_19, %get3A_22, %dot_general3A_23 {dimension_numbers = #tpu.dot_dimension_numbers<[1], [0], [0], [1], [0, 0, 1, 1], [], []>, transpose_lhs_hint = false} : vector<256x512xf32>, vector<512x128xf32>, vector<256x128xf32> -> vector<256x128xf32>
    %swap3A = arith.constant 0 : index
    %swap3A_25 = arith.constant 0 : index
    %swap3A_26 = arith.constant 0 : index
    %swap3A_27 = vector.load %arg10[%swap3A, %swap3A_25, %swap3A_26] : memref<2x256x128xf32, #tpu.memory_space<vmem>>, vector<1x256x128xf32>
    %swap3A_28 = vector.shape_cast %swap3A_27 : vector<1x256x128xf32> to vector<256x128xf32>
    %swap3A_29 = vector.shape_cast %dot_general3A_24 : vector<256x128xf32> to vector<1x256x128xf32>
    tpu.vector_store %arg10[%swap3A, %swap3A_25, %swap3A_26], %swap3A_29 {strides = array<i32>} : memref<2x256x128xf32, #tpu.memory_space<vmem>>, vector<1x256x128xf32>,
    %get3A_30 = arith.constant 0 : index
    %get3A_31 = vector.load %arg6[%get3A_30] : memref<128xf32, #tpu.memory_space<vmem>>, vector<128xf32>
    %reshape3A_32 = vector.shape_cast %get3A_31 : vector<128xf32> to vector<1x128xf32>
    %get3A_33 = arith.constant 0 : index
    %get3A_34 = vector.load %arg7[%get3A_33] : memref<128xf32, #tpu.memory_space<vmem>>, vector<128xf32>
    %reshape3A_35 = vector.shape_cast %get3A_34 : vector<128xf32> to vector<1x128xf32>
    %concatenate3A = tpu.concatenate %reshape3A_32, %reshape3A_35 in 0 : vector<1x128xf32>, vector<1x128xf32> -> vector<2x128xf32>
    %dot_general3A_36 = arith.constant dense<0.000000e+00> : vector<2x256xf32>
    %dot_general3A_37 = tpu.matmul %concatenate3A, %dot_general3A_24, %dot_general3A_36 {dimension_numbers = #tpu.dot_dimension_numbers<[1], [1], [0], [0], [0, 0, 1, 0], [], []>, transpose_lhs_hint = false} : vector<2x128xf32>, vector<256x128xf32>, vector<2x256xf32> -> vector<2x256xf32>
    %slice3A = vector.extract_strided_slice %dot_general3A_37 {offsets = [0, 0], sizes = [1, 256], strides = [1, 1]} : vector<2x256xf32> to vector<1x256xf32>
    %squeeze3A = vector.shape_cast %slice3A : vector<1x256xf32> to vector<256xf32>
    %swap3A_38 = arith.constant 0 : index
    %swap3A_39 = vector.load %arg11[%swap3A_38] : memref<512xf32, #tpu.memory_space<vmem>>, vector<256xf32>
    tpu.vector_store %arg11[%swap3A_38], %squeeze3A {strides = array<i32>} : memref<512xf32, #tpu.memory_space<vmem>>, vector<256xf32>,
    %slice3A_40 = vector.extract_strided_slice %dot_general3A_37 {offsets = [1, 0], sizes = [1, 256], strides = [1, 1]} : vector<2x256xf32> to vector<1x256xf32>
    %squeeze3A_41 = vector.shape_cast %slice3A_40 : vector<1x256xf32> to vector<256xf32>
    %swap3A_42 = arith.constant 0 : index
    %swap3A_43 = vector.load %arg12[%swap3A_42] : memref<512xf32, #tpu.memory_space<vmem>>, vector<256xf32>
    tpu.vector_store %arg12[%swap3A_42], %squeeze3A_41 {strides = array<i32>} : memref<512xf32, #tpu.memory_space<vmem>>, vector<256xf32>,
    %get3A_44 = arith.constant 1 : index
    %get3A_45 = arith.constant 0 : index
    %get3A_46 = arith.constant 0 : index
    %get3A_47 = vector.load %arg0[%get3A_44, %get3A_45, %get3A_46] : memref<2x256x256xf32, #tpu.memory_space<vmem>>, vector<1x256x256xf32>
    %get3A_48 = vector.shape_cast %get3A_47 : vector<1x256x256xf32> to vector<256x256xf32>
    %reduce_sum3A_49 = arith.constant dense<0.000000e+00> : vector<256xf32>
    %reduce_sum3A_50 = vector.multi_reduction <add>, %get3A_48, %reduce_sum3A_49 [1] : vector<256x256xf32> to vector<256xf32>
    %broadcast_in_dim3A_51 = vector.shape_cast %reduce_sum3A_50 : vector<256xf32> to vector<256x1xf32>
    %add3A_52 = arith.constant 1.000000e-16 : f32
    %add3A_53 = vector.broadcast %add3A_52 : f32 to vector<256x1xf32>
    %add3A_54 = arith.addf %broadcast_in_dim3A_51, %add3A_53 : vector<256x1xf32>
    %get3A_55 = arith.constant 1 : index
    %get3A_56 = arith.constant 0 : index
    %get3A_57 = arith.constant 0 : index
    %get3A_58 = vector.load %arg1[%get3A_55, %get3A_56, %get3A_57] : memref<2x256x512xf32, #tpu.memory_space<vmem>>, vector<1x256x512xf32>
    %get3A_59 = vector.shape_cast %get3A_58 : vector<1x256x512xf32> to vector<256x512xf32>
    %dot_general3A_60 = arith.constant dense<0.000000e+00> : vector<256x512xf32>
    %dot_general3A_61 = tpu.matmul %get3A_48, %get3A_59, %dot_general3A_60 {dimension_numbers = #tpu.dot_dimension_numbers<[1], [0], [0], [1], [0, 0, 1, 1], [], []>, transpose_lhs_hint = false} : vector<256x256xf32>, vector<256x512xf32>, vector<256x512xf32> -> vector<256x512xf32>
    %div3A_62 = vector.broadcast %add3A_54 : vector<256x1xf32> to vector<256x512xf32>
    %div3A_63 = arith.divf %dot_general3A_61, %div3A_62 : vector<256x512xf32>
    %get3A_64 = arith.constant 0 : index
    %get3A_65 = vector.load %arg3[%get3A_64] : memref<512xf32, #tpu.memory_space<vmem>>, vector<512xf32>
    %reshape3A_66 = vector.shape_cast %get3A_65 : vector<512xf32> to vector<1x512xf32>
    %add3A_67 = vector.broadcast %reshape3A_66 : vector<1x512xf32> to vector<256x512xf32>
    %add3A_68 = arith.addf %div3A_63, %add3A_67 : vector<256x512xf32>
    %max3A_69 = arith.constant 0.000000e+00 : f32
    %max3A_70 = vector.broadcast %max3A_69 : f32 to vector<256x512xf32>
    %max3A_71 = arith.maximumf %add3A_68, %max3A_70 : vector<256x512xf32>
    %get3A_72 = arith.constant 0 : index
    %get3A_73 = arith.constant 0 : index
    %get3A_74 = vector.load %arg5[%get3A_72, %get3A_73] : memref<512x128xf32, #tpu.memory_space<vmem>>, vector<512x128xf32>
    %dot_general3A_75 = arith.constant dense<0.000000e+00> : vector<256x128xf32>
    %dot_general3A_76 = tpu.matmul %max3A_71, %get3A_74, %dot_general3A_75 {dimension_numbers = #tpu.dot_dimension_numbers<[1], [0], [0], [1], [0, 0, 1, 1], [], []>, transpose_lhs_hint = false} : vector<256x512xf32>, vector<512x128xf32>, vector<256x128xf32> -> vector<256x128xf32>
    %swap3A_77 = arith.constant 1 : index
    %swap3A_78 = arith.constant 0 : index
    %swap3A_79 = arith.constant 0 : index
    %swap3A_80 = vector.load %arg10[%swap3A_77, %swap3A_78, %swap3A_79] : memref<2x256x128xf32, #tpu.memory_space<vmem>>, vector<1x256x128xf32>
    %swap3A_81 = vector.shape_cast %swap3A_80 : vector<1x256x128xf32> to vector<256x128xf32>
    %swap3A_82 = vector.shape_cast %dot_general3A_76 : vector<256x128xf32> to vector<1x256x128xf32>
    tpu.vector_store %arg10[%swap3A_77, %swap3A_78, %swap3A_79], %swap3A_82 {strides = array<i32>} : memref<2x256x128xf32, #tpu.memory_space<vmem>>, vector<1x256x128xf32>,
    %get3A_83 = arith.constant 0 : index
    %get3A_84 = vector.load %arg8[%get3A_83] : memref<128xf32, #tpu.memory_space<vmem>>, vector<128xf32>
    %reshape3A_85 = vector.shape_cast %get3A_84 : vector<128xf32> to vector<1x128xf32>
    %get3A_86 = arith.constant 0 : index
    %get3A_87 = vector.load %arg9[%get3A_86] : memref<128xf32, #tpu.memory_space<vmem>>, vector<128xf32>
    %reshape3A_88 = vector.shape_cast %get3A_87 : vector<128xf32> to vector<1x128xf32>
    %concatenate3A_89 = tpu.concatenate %reshape3A_85, %reshape3A_88 in 0 : vector<1x128xf32>, vector<1x128xf32> -> vector<2x128xf32>
    %dot_general3A_90 = arith.constant dense<0.000000e+00> : vector<2x256xf32>
    %dot_general3A_91 = tpu.matmul %concatenate3A_89, %dot_general3A_76, %dot_general3A_90 {dimension_numbers = #tpu.dot_dimension_numbers<[1], [1], [0], [0], [0, 0, 1, 0], [], []>, transpose_lhs_hint = false} : vector<2x128xf32>, vector<256x128xf32>, vector<2x256xf32> -> vector<2x256xf32>
    %slice3A_92 = vector.extract_strided_slice %dot_general3A_91 {offsets = [0, 0], sizes = [1, 256], strides = [1, 1]} : vector<2x256xf32> to vector<1x256xf32>
    %squeeze3A_93 = vector.shape_cast %slice3A_92 : vector<1x256xf32> to vector<256xf32>
    %swap3A_94 = arith.constant 256 : index
    %swap3A_95 = vector.load %arg11[%swap3A_94] : memref<512xf32, #tpu.memory_space<vmem>>, vector<256xf32>
    tpu.vector_store %arg11[%swap3A_94], %squeeze3A_93 {strides = array<i32>} : memref<512xf32, #tpu.memory_space<vmem>>, vector<256xf32>,
    %slice3A_96 = vector.extract_strided_slice %dot_general3A_91 {offsets = [1, 0], sizes = [1, 256], strides = [1, 1]} : vector<2x256xf32> to vector<1x256xf32>
    %squeeze3A_97 = vector.shape_cast %slice3A_96 : vector<1x256xf32> to vector<256xf32>
    %swap3A_98 = arith.constant 256 : index
    %swap3A_99 = vector.load %arg12[%swap3A_98] : memref<512xf32, #tpu.memory_space<vmem>>, vector<256xf32>
    tpu.vector_store %arg12[%swap3A_98], %squeeze3A_97 {strides = array<i32>} : memref<512xf32, #tpu.memory_space<vmem>>, vector<256xf32>,
    return
  }
}

module attributes {stable_mosaic.version = 14 : i64} {
  func.func @_fin_body(%arg0: memref<2x256x256xf32, #tpu.memory_space<vmem>>, %arg1: memref<2x256x128xf32, #tpu.memory_space<vmem>>, %arg2: memref<128xf32, #tpu.memory_space<vmem>>, %arg3: memref<128x128xf32, #tpu.memory_space<vmem>>, %arg4: memref<128xf32, #tpu.memory_space<vmem>>, %arg5: memref<128xf32, #tpu.memory_space<vmem>>, %arg6: memref<128x128xf32, #tpu.memory_space<vmem>>, %arg7: memref<128xf32, #tpu.memory_space<vmem>>, %arg8: memref<128x256xf32, #tpu.memory_space<vmem>>, %arg9: memref<256xf32, #tpu.memory_space<vmem>>, %arg10: memref<256x256xf32, #tpu.memory_space<vmem>>, %arg11: memref<256xf32, #tpu.memory_space<vmem>>, %arg12: memref<256x128xf32, #tpu.memory_space<vmem>>, %arg13: memref<128xf32, #tpu.memory_space<vmem>>, %arg14: memref<128x128xf32, #tpu.memory_space<vmem>>, %arg15: memref<128xf32, #tpu.memory_space<vmem>>, %arg16: memref<512x128xf32, #tpu.memory_space<vmem>>) attributes {dimension_semantics = [], scalar_prefetch = 0 : i64, scratch_operands = 0 : i64, tpu.core_type = #tpu.core_type<tc>} {
    %get3A = arith.constant 0 : index
    %get3A_0 = arith.constant 0 : index
    %get3A_1 = arith.constant 0 : index
    %get3A_2 = vector.load %arg0[%get3A, %get3A_0, %get3A_1] : memref<2x256x256xf32, #tpu.memory_space<vmem>>, vector<1x256x256xf32>
    %get3A_3 = vector.shape_cast %get3A_2 : vector<1x256x256xf32> to vector<256x256xf32>
    %reduce_sum3A = arith.constant dense<0.000000e+00> : vector<256xf32>
    %reduce_sum3A_4 = vector.multi_reduction <add>, %get3A_3, %reduce_sum3A [1] : vector<256x256xf32> to vector<256xf32>
    %broadcast_in_dim3A = vector.shape_cast %reduce_sum3A_4 : vector<256xf32> to vector<256x1xf32>
    %add3A = arith.constant 1.000000e-16 : f32
    %add3A_5 = vector.broadcast %add3A : f32 to vector<256x1xf32>
    %add3A_6 = arith.addf %broadcast_in_dim3A, %add3A_5 : vector<256x1xf32>
    %get3A_7 = arith.constant 0 : index
    %get3A_8 = arith.constant 0 : index
    %get3A_9 = arith.constant 0 : index
    %get3A_10 = vector.load %arg1[%get3A_7, %get3A_8, %get3A_9] : memref<2x256x128xf32, #tpu.memory_space<vmem>>, vector<1x256x128xf32>
    %get3A_11 = vector.shape_cast %get3A_10 : vector<1x256x128xf32> to vector<256x128xf32>
    %dot_general3A = arith.constant dense<0.000000e+00> : vector<256x128xf32>
    %dot_general3A_12 = tpu.matmul %get3A_3, %get3A_11, %dot_general3A {dimension_numbers = #tpu.dot_dimension_numbers<[1], [0], [0], [1], [0, 0, 1, 1], [], []>, transpose_lhs_hint = false} : vector<256x256xf32>, vector<256x128xf32>, vector<256x128xf32> -> vector<256x128xf32>
    %div3A = vector.broadcast %add3A_6 : vector<256x1xf32> to vector<256x128xf32>
    %div3A_13 = arith.divf %dot_general3A_12, %div3A : vector<256x128xf32>
    %get3A_14 = arith.constant 0 : index
    %get3A_15 = vector.load %arg2[%get3A_14] : memref<128xf32, #tpu.memory_space<vmem>>, vector<128xf32>
    %reshape3A = vector.shape_cast %get3A_15 : vector<128xf32> to vector<1x128xf32>
    %add3A_16 = vector.broadcast %reshape3A : vector<1x128xf32> to vector<256x128xf32>
    %add3A_17 = arith.addf %div3A_13, %add3A_16 : vector<256x128xf32>
    %get3A_18 = arith.constant 0 : index
    %get3A_19 = arith.constant 0 : index
    %get3A_20 = vector.load %arg3[%get3A_18, %get3A_19] : memref<128x128xf32, #tpu.memory_space<vmem>>, vector<128x128xf32>
    %dot_general3A_21 = arith.constant dense<0.000000e+00> : vector<256x128xf32>
    %dot_general3A_22 = tpu.matmul %add3A_17, %get3A_20, %dot_general3A_21 {dimension_numbers = #tpu.dot_dimension_numbers<[1], [0], [0], [1], [0, 0, 1, 1], [], []>, transpose_lhs_hint = false} : vector<256x128xf32>, vector<128x128xf32>, vector<256x128xf32> -> vector<256x128xf32>
    %get3A_23 = arith.constant 0 : index
    %get3A_24 = vector.load %arg4[%get3A_23] : memref<128xf32, #tpu.memory_space<vmem>>, vector<128xf32>
    %reshape3A_25 = vector.shape_cast %get3A_24 : vector<128xf32> to vector<1x128xf32>
    %add3A_26 = vector.broadcast %reshape3A_25 : vector<1x128xf32> to vector<256x128xf32>
    %add3A_27 = arith.addf %dot_general3A_22, %add3A_26 : vector<256x128xf32>
    %get3A_28 = arith.constant 1 : index
    %get3A_29 = arith.constant 0 : index
    %get3A_30 = arith.constant 0 : index
    %get3A_31 = vector.load %arg0[%get3A_28, %get3A_29, %get3A_30] : memref<2x256x256xf32, #tpu.memory_space<vmem>>, vector<1x256x256xf32>
    %get3A_32 = vector.shape_cast %get3A_31 : vector<1x256x256xf32> to vector<256x256xf32>
    %reduce_sum3A_33 = arith.constant dense<0.000000e+00> : vector<256xf32>
    %reduce_sum3A_34 = vector.multi_reduction <add>, %get3A_32, %reduce_sum3A_33 [1] : vector<256x256xf32> to vector<256xf32>
    %broadcast_in_dim3A_35 = vector.shape_cast %reduce_sum3A_34 : vector<256xf32> to vector<256x1xf32>
    %add3A_36 = arith.constant 1.000000e-16 : f32
    %add3A_37 = vector.broadcast %add3A_36 : f32 to vector<256x1xf32>
    %add3A_38 = arith.addf %broadcast_in_dim3A_35, %add3A_37 : vector<256x1xf32>
    %get3A_39 = arith.constant 1 : index
    %get3A_40 = arith.constant 0 : index
    %get3A_41 = arith.constant 0 : index
    %get3A_42 = vector.load %arg1[%get3A_39, %get3A_40, %get3A_41] : memref<2x256x128xf32, #tpu.memory_space<vmem>>, vector<1x256x128xf32>
    %get3A_43 = vector.shape_cast %get3A_42 : vector<1x256x128xf32> to vector<256x128xf32>
    %dot_general3A_44 = arith.constant dense<0.000000e+00> : vector<256x128xf32>
    %dot_general3A_45 = tpu.matmul %get3A_32, %get3A_43, %dot_general3A_44 {dimension_numbers = #tpu.dot_dimension_numbers<[1], [0], [0], [1], [0, 0, 1, 1], [], []>, transpose_lhs_hint = false} : vector<256x256xf32>, vector<256x128xf32>, vector<256x128xf32> -> vector<256x128xf32>
    %div3A_46 = vector.broadcast %add3A_38 : vector<256x1xf32> to vector<256x128xf32>
    %div3A_47 = arith.divf %dot_general3A_45, %div3A_46 : vector<256x128xf32>
    %get3A_48 = arith.constant 0 : index
    %get3A_49 = vector.load %arg5[%get3A_48] : memref<128xf32, #tpu.memory_space<vmem>>, vector<128xf32>
    %reshape3A_50 = vector.shape_cast %get3A_49 : vector<128xf32> to vector<1x128xf32>
    %add3A_51 = vector.broadcast %reshape3A_50 : vector<1x128xf32> to vector<256x128xf32>
    %add3A_52 = arith.addf %div3A_47, %add3A_51 : vector<256x128xf32>
    %get3A_53 = arith.constant 0 : index
    %get3A_54 = arith.constant 0 : index
    %get3A_55 = vector.load %arg6[%get3A_53, %get3A_54] : memref<128x128xf32, #tpu.memory_space<vmem>>, vector<128x128xf32>
    %dot_general3A_56 = arith.constant dense<0.000000e+00> : vector<256x128xf32>
    %dot_general3A_57 = tpu.matmul %add3A_52, %get3A_55, %dot_general3A_56 {dimension_numbers = #tpu.dot_dimension_numbers<[1], [0], [0], [1], [0, 0, 1, 1], [], []>, transpose_lhs_hint = false} : vector<256x128xf32>, vector<128x128xf32>, vector<256x128xf32> -> vector<256x128xf32>
    %get3A_58 = arith.constant 0 : index
    %get3A_59 = vector.load %arg7[%get3A_58] : memref<128xf32, #tpu.memory_space<vmem>>, vector<128xf32>
    %reshape3A_60 = vector.shape_cast %get3A_59 : vector<128xf32> to vector<1x128xf32>
    %add3A_61 = vector.broadcast %reshape3A_60 : vector<1x128xf32> to vector<256x128xf32>
    %add3A_62 = arith.addf %dot_general3A_57, %add3A_61 : vector<256x128xf32>
    %concatenate3A = tpu.concatenate %add3A_27, %add3A_62 in 0 : vector<256x128xf32>, vector<256x128xf32> -> vector<512x128xf32>
    %reduce_sum3A_63 = arith.constant dense<0.000000e+00> : vector<128xf32>
    %reduce_sum3A_64 = vector.multi_reduction <add>, %concatenate3A, %reduce_sum3A_63 [0] : vector<512x128xf32> to vector<128xf32>
    %broadcast_in_dim3A_65 = vector.shape_cast %reduce_sum3A_64 : vector<128xf32> to vector<1x128xf32>
    %add3A_66 = vector.broadcast %broadcast_in_dim3A_65 : vector<1x128xf32> to vector<512x128xf32>
    %add3A_67 = arith.addf %concatenate3A, %add3A_66 : vector<512x128xf32>
    %get3A_68 = arith.constant 0 : index
    %get3A_69 = arith.constant 0 : index
    %get3A_70 = vector.load %arg8[%get3A_68, %get3A_69] : memref<128x256xf32, #tpu.memory_space<vmem>>, vector<128x256xf32>
    %dot_general3A_71 = arith.constant dense<0.000000e+00> : vector<512x256xf32>
    %dot_general3A_72 = tpu.matmul %add3A_67, %get3A_70, %dot_general3A_71 {dimension_numbers = #tpu.dot_dimension_numbers<[1], [0], [0], [1], [0, 0, 1, 1], [], []>, transpose_lhs_hint = false} : vector<512x128xf32>, vector<128x256xf32>, vector<512x256xf32> -> vector<512x256xf32>
    %get3A_73 = arith.constant 0 : index
    %get3A_74 = vector.load %arg9[%get3A_73] : memref<256xf32, #tpu.memory_space<vmem>>, vector<256xf32>
    %reshape3A_75 = vector.shape_cast %get3A_74 : vector<256xf32> to vector<1x256xf32>
    %add3A_76 = vector.broadcast %reshape3A_75 : vector<1x256xf32> to vector<512x256xf32>
    %add3A_77 = arith.addf %dot_general3A_72, %add3A_76 : vector<512x256xf32>
    %max3A = arith.constant 0.000000e+00 : f32
    %max3A_78 = vector.broadcast %max3A : f32 to vector<512x256xf32>
    %max3A_79 = arith.maximumf %add3A_77, %max3A_78 : vector<512x256xf32>
    %get3A_80 = arith.constant 0 : index
    %get3A_81 = arith.constant 0 : index
    %get3A_82 = vector.load %arg10[%get3A_80, %get3A_81] : memref<256x256xf32, #tpu.memory_space<vmem>>, vector<256x256xf32>
    %dot_general3A_83 = arith.constant dense<0.000000e+00> : vector<512x256xf32>
    %dot_general3A_84 = tpu.matmul %max3A_79, %get3A_82, %dot_general3A_83 {dimension_numbers = #tpu.dot_dimension_numbers<[1], [0], [0], [1], [0, 0, 1, 1], [], []>, transpose_lhs_hint = false} : vector<512x256xf32>, vector<256x256xf32>, vector<512x256xf32> -> vector<512x256xf32>
    %get3A_85 = arith.constant 0 : index
    %get3A_86 = vector.load %arg11[%get3A_85] : memref<256xf32, #tpu.memory_space<vmem>>, vector<256xf32>
    %reshape3A_87 = vector.shape_cast %get3A_86 : vector<256xf32> to vector<1x256xf32>
    %add3A_88 = vector.broadcast %reshape3A_87 : vector<1x256xf32> to vector<512x256xf32>
    %add3A_89 = arith.addf %dot_general3A_84, %add3A_88 : vector<512x256xf32>
    %max3A_90 = arith.constant 0.000000e+00 : f32
    %max3A_91 = vector.broadcast %max3A_90 : f32 to vector<512x256xf32>
    %max3A_92 = arith.maximumf %add3A_89, %max3A_91 : vector<512x256xf32>
    %reduce_sum3A_93 = arith.constant dense<0.000000e+00> : vector<256xf32>
    %reduce_sum3A_94 = vector.multi_reduction <add>, %max3A_92, %reduce_sum3A_93 [0] : vector<512x256xf32> to vector<256xf32>
    %broadcast_in_dim3A_95 = vector.shape_cast %reduce_sum3A_94 : vector<256xf32> to vector<1x256xf32>
    %add3A_96 = vector.broadcast %broadcast_in_dim3A_95 : vector<1x256xf32> to vector<512x256xf32>
    %add3A_97 = arith.addf %max3A_92, %add3A_96 : vector<512x256xf32>
    %get3A_98 = arith.constant 0 : index
    %get3A_99 = arith.constant 0 : index
    %get3A_100 = vector.load %arg12[%get3A_98, %get3A_99] : memref<256x128xf32, #tpu.memory_space<vmem>>, vector<256x128xf32>
    %dot_general3A_101 = arith.constant dense<0.000000e+00> : vector<512x128xf32>
    %dot_general3A_102 = tpu.matmul %add3A_97, %get3A_100, %dot_general3A_101 {dimension_numbers = #tpu.dot_dimension_numbers<[1], [0], [0], [1], [0, 0, 1, 1], [], []>, transpose_lhs_hint = false} : vector<512x256xf32>, vector<256x128xf32>, vector<512x128xf32> -> vector<512x128xf32>
    %get3A_103 = arith.constant 0 : index
    %get3A_104 = vector.load %arg13[%get3A_103] : memref<128xf32, #tpu.memory_space<vmem>>, vector<128xf32>
    %reshape3A_105 = vector.shape_cast %get3A_104 : vector<128xf32> to vector<1x128xf32>
    %add3A_106 = vector.broadcast %reshape3A_105 : vector<1x128xf32> to vector<512x128xf32>
    %add3A_107 = arith.addf %dot_general3A_102, %add3A_106 : vector<512x128xf32>
    %max3A_108 = arith.constant 0.000000e+00 : f32
    %max3A_109 = vector.broadcast %max3A_108 : f32 to vector<512x128xf32>
    %max3A_110 = arith.maximumf %add3A_107, %max3A_109 : vector<512x128xf32>
    %get3A_111 = arith.constant 0 : index
    %get3A_112 = arith.constant 0 : index
    %get3A_113 = vector.load %arg14[%get3A_111, %get3A_112] : memref<128x128xf32, #tpu.memory_space<vmem>>, vector<128x128xf32>
    %dot_general3A_114 = arith.constant dense<0.000000e+00> : vector<512x128xf32>
    %dot_general3A_115 = tpu.matmul %max3A_110, %get3A_113, %dot_general3A_114 {dimension_numbers = #tpu.dot_dimension_numbers<[1], [0], [0], [1], [0, 0, 1, 1], [], []>, transpose_lhs_hint = false} : vector<512x128xf32>, vector<128x128xf32>, vector<512x128xf32> -> vector<512x128xf32>
    %get3A_116 = arith.constant 0 : index
    %get3A_117 = vector.load %arg15[%get3A_116] : memref<128xf32, #tpu.memory_space<vmem>>, vector<128xf32>
    %reshape3A_118 = vector.shape_cast %get3A_117 : vector<128xf32> to vector<1x128xf32>
    %add3A_119 = vector.broadcast %reshape3A_118 : vector<1x128xf32> to vector<512x128xf32>
    %add3A_120 = arith.addf %dot_general3A_115, %add3A_119 : vector<512x128xf32>
    %swap3A = arith.constant 0 : index
    %swap3A_121 = arith.constant 0 : index
    %swap3A_122 = vector.load %arg16[%swap3A, %swap3A_121] : memref<512x128xf32, #tpu.memory_space<vmem>>, vector<512x128xf32>
    tpu.vector_store %arg16[%swap3A, %swap3A_121], %add3A_120 {strides = array<i32>} : memref<512x128xf32, #tpu.memory_space<vmem>>, vector<512x128xf32>,
    return
  }
}

</mosaic_0001>

<sc_bundles>
// kernel: kernel.10.cloned.1.call-start
scs
__scs_entry_jumppad:
0x0: {  	(pc) =	sbr.rel $0x88, $3  }
0x1: {  	(tag) =	ssettag $0x0;
	lr =	simm.s32 $0x1  }
0x2: {  	[smem:$0x3F77] =	sst lr;
	_ =	strace $0xD0000000  }
0x3: {  	_ = 	snop  }
0x4: {  	_ = 	snop  }
0x5: {  	_ = 	snop  }
0x6: {  	_ = 	snop  }
0x7: {  	_ = 	snop  }
__scs_overlays_trampoline_lowered:
0x8: {  	[smem:$0x3F86] =	sst s0  }
0x9: {  	[smem:$0x3F87] =	sst s1  }
0xa: {  	[smem:$0x3F88] =	sst s2  }
0xb: {  	[smem:$0x3F89] =	sst s3  }
0xc: {  	[smem:$0x3F8A] =	sst s4  }
0xd: {  	[smem:$0x3F8B] =	sst s5  }
0xe: {  	[smem:$0x3F8C] =	sst s6  }
0xf: {  	[smem:$0x3F8D] =	sst s7  }
0x10: {  	[smem:$0x3F8E] =	sst s8  }
0x11: {  	[smem:$0x3F8F] =	sst s9;
	s0 =	simm.s32 @!p0 $0x0  }
0x12: {  	s1 =	sld [smem:$0x3F75];
	s0 =	simm.s32 @p0 $0x1  }
0x13: {  	[smem:$0x3F90] =	sst s0;
	s0 =	simm.s32 @!p1 $0x0  }
0x14: {  	s2 =	sld [smem:$0x3F74];
	s0 =	simm.s32 @p1 $0x1  }
0x15: {  	[smem:$0x3F91] =	sst s0;
	s0 =	simm.s32 @!p2 $0x0  }
0x16: {  	s3 =	sld [smem:$0x3FDB];
	s0 =	simm.s32 @p2 $0x1  }
0x17: {  	s4 =	simm.s32 $0x1BF5;
	[smem:$0x3F93] =	sst s0  }
0x18: {  	s0 =	sld [smem:$0x3F76];
	_ =	swait.ge [sflag:s4], $0x0  }
0x19: {  	s7 =	sld [smem:$0x3F77]  }
0x1a: {  	s8 =	sadd.s32 $0xFFFFE003, lr  }
0x1b: {  	s9 =	sadd.s32 $0xFFFFFEF7, lr;
	s5 =	simm.s32 $0xFFFFFFFF;
	p2 =	slt.u32 s8, $0xFFFFF086  }
0x1c: {  	p1 =	slt.u32 s9, $0xF7A;
	s5 =	simm.s32 @!p2 $0x0  }
0x1d: {  	s5 =	simm.s32 @p1 $0x1;
	p0 =	seq.s32 s7, s2  }
0x1e: {  	s7 =	smul.u32 @!p0 $0xF7A, s2;
	p2 =	seq.s32 @!p0 s5, $0x0  }
0x1f: {  	s9 =	smul.u32 $0xF7A, s1;
	s8 =	simm.s32 @!p0 $0x1BF5;
	p2 =	por !p2, p0  }
0x20: {  	[sflag:s8] =	ssyncset.s32 @!p0 $0xFFFFF086;
	s6 =	sadd.s32 @!p0 s3, s7;
	s7 =	simm.s32 @!p0 $0x108  }
0x21: {  	s3 =	sadd.s32 s3, s9;
	s6 =	sadd.s32 @!p0 $0x88, s6;
	s7 =	simm.s32 @p2 $0x1082  }
0x22: {  	[simem:s7], [sflag:s8] =	dma.local @!p0 [hbm:s6], $0xF7A  }
0x23: {  	s9 =	sor.u32 $0xD0000000, s2;
	s6 =	simm.s32 $0x108;
	_ =	swait.ge @!p0 [sflag:s8], $0x0  }
0x24: {  	s3 =	sadd.s32 $0x88, s3;
	s6 =	simm.s32 @!p1 $0x1082;
	[sflag:s4] =	ssyncset.s32 $0xFFFFF086  }
0x25: {  	[simem:s6], [sflag:s4] =	dma.local [hbm:s3], $0xF7A  }
0x26: {  	[smem:$0x3F77] =	sst s1;
	(tag) =	ssettag s2;
	_ =	strace s9  }
0x27: {  	s1 =	sld [smem:$0x3F87]  }
0x28: {  	s2 =	sld [smem:$0x3F88]  }
0x29: {  	s4 =	sld [smem:$0x3F8A]  }
0x2a: {  	p0 =	seq.s32 s5, $0x0;
	s5 =	sld [smem:$0x3F8B]  }
0x2b: {  	s6 =	sld [smem:$0x3F8C]  }
0x2c: {  	s7 =	sld [smem:$0x3F8D]  }
0x2d: {  	s3 =	simm.s32 $0x108;
	s8 =	sld [smem:$0x3F8E]  }
0x2e: {  	s3 =	simm.s32 @!p0 $0x1082;
	s9 =	sld [smem:$0x3F8F]  }
0x2f: {  	lr =	sadd.s32 s0, s3;
	s0 =	sld [smem:$0x3F86]  }
0x30: {  	s3 =	sld [smem:$0x3F89]  }
0x31: {  	[smem:$0x3F92] =	sst s10  }
0x32: {  	s10 =	sld [smem:$0x3F90];
	_ =	sdelay $0x3  }
0x33: {  	p0 =	seq.s32 s10, $0x1;
	s10 =	sld [smem:$0x3F92];
	_ =	sdelay $0x3  }
0x34: {  	[smem:$0x3F92] =	sst s10  }
0x35: {  	s10 =	sld [smem:$0x3F91];
	_ =	sdelay $0x3  }
0x36: {  	p1 =	seq.s32 s10, $0x1;
	s10 =	sld [smem:$0x3F92];
	_ =	sdelay $0x3  }
0x37: {  	[smem:$0x3F92] =	sst s10  }
0x38: {  	s10 =	sld [smem:$0x3F93]  }
0x39: {  	_ = 	snop;
	(pc) =	sbr.ind lr, $3  }
0x3a: {  	_ = 	snop  }
0x3b: {  	_ = 	snop  }
0x3c: {  	p2 =	seq.s32 s10, $0x1;
	s10 =	sld [smem:$0x3F92]  }
0x3d: {  	_ =	shalt  }
0x3e: {  	_ =	shalt  }
0x3f: {  	_ =	shalt  }
0x40: {  	_ =	shalt  }
0x41: {  	_ =	shalt  }
0x42: {  	_ =	shalt  }
0x43: {  	_ =	shalt  }
0x44: {  	_ =	shalt  }
0x45: {  	_ =	shalt  }
0x46: {  	_ =	shalt  }
0x47: {  	_ =	shalt  }
0x48: {  	_ =	shalt  }
0x49: {  	_ =	shalt  }
0x4a: {  	_ =	shalt  }
0x4b: {  	_ =	shalt  }
0x4c: {  	_ =	shalt  }
0x4d: {  	_ =	shalt  }
0x4e: {  	_ =	shalt  }
0x4f: {  	_ =	shalt  }
0x50: {  	_ =	shalt  }
0x51: {  	_ =	shalt  }
0x52: {  	_ =	shalt  }
0x53: {  	_ =	shalt  }
0x54: {  	_ =	shalt  }
0x55: {  	_ =	shalt  }
0x56: {  	_ =	shalt  }
0x57: {  	_ =	shalt  }
0x58: {  	_ =	shalt  }
0x59: {  	_ =	shalt  }
0x5a: {  	_ =	shalt  }
0x5b: {  	_ =	shalt  }
0x5c: {  	_ =	shalt  }
0x5d: {  	_ =	shalt  }
0x5e: {  	_ =	shalt  }
0x5f: {  	_ =	shalt  }
0x60: {  	_ =	shalt  }
0x61: {  	_ =	shalt  }
0x62: {  	_ =	shalt  }
0x63: {  	_ =	shalt  }
0x64: {  	_ =	shalt  }
0x65: {  	_ =	shalt  }
0x66: {  	_ =	shalt  }
0x67: {  	_ =	shalt  }
0x68: {  	_ =	shalt  }
0x69: {  	_ =	shalt  }
0x6a: {  	_ =	shalt  }
0x6b: {  	_ =	shalt  }
0x6c: {  	_ =	shalt  }
0x6d: {  	_ =	shalt  }
0x6e: {  	_ =	shalt  }
0x6f: {  	_ =	shalt  }
0x70: {  	_ =	shalt  }
0x71: {  	_ =	shalt  }
0x72: {  	_ =	shalt  }
0x73: {  	_ =	shalt  }
0x74: {  	_ =	shalt  }
0x75: {  	_ =	shalt  }
0x76: {  	_ =	shalt  }
0x77: {  	_ =	shalt  }
0x78: {  	_ =	shalt  }
0x79: {  	_ =	shalt  }
0x7a: {  	_ =	shalt  }
0x7b: {  	_ =	shalt  }
0x7c: {  	_ =	shalt  }
0x7d: {  	_ =	shalt  }
0x7e: {  	_ =	shalt  }
0x7f: {  	_ =	shalt  }
0x80: {  	_ =	shalt  }
0x81: {  	_ =	shalt  }
0x82: {  	_ =	shalt  }
0x83: {  	_ =	shalt  }
0x84: {  	_ =	shalt  }
0x85: {  	_ =	shalt  }
0x86: {  	_ =	shalt  }
0x87: {  	_ =	shalt  }
.Lfunc_end0:
.L_simem_size_0:
called_computation.1_lowered:
.L_overlay_start_0:
0x88: {  	s2 =	sld [smem:$0x3FD9]  }
0x89: {  	s3 =	sld [smem:$0x3FFE];
	_ =	sdelay $0x1  }
0x8a: {  	s1 =	srdreg.scid  }
0x8b: {  	s0 =	sand.u32 $0x1, s1  }
0x8c: {  	s17 =	sshll.u32 s0, $0xA;
	s2 =	sadd.s32 s3, s2  }
0x8d: {  	s2 =	sadd.s32 s2, s17  }
0x8e: {  	[smem:$0x3F9E] =	sst s2  }
0x8f: {  	_ = 	snop  }
0x90: {  	s2 =	sld [smem:$0x3FD0];
	(tm) =	ssettm $0x1  }
0x91: {  	s18 =	sld [smem:$0x3FFB];
	_ =	sdelay $0x3  }
0x92: {  	_ =	strace s18  }
0x93: {  	s3 =	sld [smem:$0x3FFC];
	_ =	sdelay $0x3  }
0x94: {  	_ =	strace s3  }
0x95: {  	s3 =	sld [smem:$0x3FFD];
	_ =	sdelay $0x3  }
0x96: {  	_ =	strace s3  }
0x97: {  	_ =	strace $0x8FFFFFFF  }
0x98: {  	s19 =	sld [smem:$0x3FDB];
	_ =	sdelay $0x1  }
0x99: {  	s4 =	simm.s32 $_scs_section_size  }
0x9a: {  	s5 =	simm.s32 $_size__tile_overlayer_lowered;
	s6 =	simm.s32 $_tile_overlayer_lowered  }
0x9b: {  	s22 =	simm.s32 $0x1BFF;
	s21 =	sshll.u32 s6, $0x1;
	s3 =	sadd.s32 s4, s19  }
0x9c: {  	s7 =	simm.s32 $0x0;
	s20 =	sshll.u32 s5, $0x1;
	s5 =	sadd.s32 s21, s3  }
0x9d: {  	[timem:s7], [sflag:s22] =	dma.local [hbm:s5], s20  }
0x9e: {  	_ =	swait.ge [sflag:s22], s20  }
0x9f: {  	s4 =	ssub.s32 $0x0, s20;
	[sflag:s22] =	ssyncset.done $0x0  }
0xa0: {  	[sflag:s22] =	ssyncadd.s32 s4;
	_ =	sdelay $0x1  }
0xa1: {  	s23 =	simm.s32 $0x1B8B  }
0xa2: {  	_ =	swait.ge [sflag:s23], $0x1  }
0xa3: {  	[sflag:s23] =	ssyncset.done $0x0  }
0xa4: {  	s25 =	simm.s32 $0x1B8E;
	s24 =	sld [smem:$0x3FFE];
	[sflag:s23] =	ssyncadd.s32 $0xFFFFFFFF  }
0xa5: {  	s26 =	simm.s32 $execute0_lowered;
	[smem:$0x3FD2] =	sst s25  }
0xa6: {  	s5 =	sshll.u32 s26, $0x1;
	_ =	strace $0x80000049;
	[dreg:$0x1] =	wrdreg $0xFFFFFFFF  }
0xa7: {  	s28 =	simm.s32 $_size_execute0_lowered;
	s3 =	sadd.s32 s3, s5;
	[dreg:$0x0] =	wrdreg $0x0  }
0xa8: {  	s5 =	sshll.u32 s28, $0x1;
	[dreg:$0x2] =	wrdreg s3  }
0xa9: {  	[dreg:$0x3] =	wrdreg s5  }
0xaa: {  	[dreg:$0x4] =	wrdreg $0xC0  }
0xab: {  	_ =	task [dreg:s7], $0x5FFFF  }
0xac: {  	[dreg:$0x1] =	wrdreg $0xFFFFFFFF  }
0xad: {  	[dreg:$0x0] =	wrdreg $0x60  }
0xae: {  	[dreg:$0x2] =	wrdreg s24  }
0xaf: {  	[dreg:$0x3] =	wrdreg s2  }
0xb0: {  	[dreg:$0x4] =	wrdreg $0x7000  }
0xb1: {  	[dreg:$0x5] =	wrdreg $0x9  }
0xb2: {  	_ =	task.clear_ibuf [dreg:s7], $0x6FFFF;
	_ =	strace $0x90000049  }
0xb3: {  	s29 =	simm.s32 $0x9;
	_ =	strace $0x8000004B  }
0xb4: {  	_ =	swait.ge [sflag:s29], $0x1  }
0xb5: {  	[sflag:s29] =	ssyncadd.s32 $0xFFFFFFFF  }
0xb6: {  	_ =	strace $0x9000004B  }
0xb7: {  	_ =	sfence  }
0xb8: {  	s30 =	sld [smem:$0x0];
	_ =	sdelay $0x2  }
0xb9: {  	s31 =	sshll.u32 s1, $0xD;
	s1 =	sshrl.u32 s1, $0x2  }
0xba: {  	s3 =	sand.u32 $0x4000, s31;
	s1 =	sadd.s32 s1, s30  }
0xbb: {  	s0 =	sor.u32 s3, s0;
	s1 =	sshll.u32 s1, $0x11  }
0xbc: {  	s0 =	sor.u32 s1, s0  }
0xbd: {  	s0 =	sadd.s32 $0x8F2B, s0  }
0xbe: {  	[sflag:s0] =	ssyncadd.remote.s32 $0x1  }
0xbf: {  	_ =	sfence.sel $0xFFFF  }
0xc0: {  	[dreg:$0x0] =	wrdreg $0xFFFFFFFF;
	(pc) =	sbr.abs _section_cstart, $3  }
0xc1: {  	[dreg:$0x1] =	wrdreg $0xFFFFFFFF  }
0xc2: {  	_ =	task.clear_ibuf [dreg:s7], $0x2FFFF;
	_ =	strace $0x9FFFFFFF  }
0xc3: {  	(tm) =	ssettm $0x7FFFFFFF  }
tec
execute0_lowered:
.L_overlay_start_1:
0x0: {  	(tag) =	ssettag $0x1  }
0x1: {  	s4 =	rddreg [dreg:$0x0]  }
0x2: {  	s1 =	rddreg [dreg:$0x1]  }
0x3: {  	s2 =	rddreg [dreg:$0x2]  }
0x4: {  	s0 =	rddreg [dreg:$0x3]  }
0x5: {  	s3 =	simm.s32 $0x0;
	s5 =	srdreg.scid;
	s11 =	stileid.u32  }
0x6: {  	s14 =	simm.s32 $0x200;
	s16 =	simm.s32 $0x1;
	s17 =	simm.s32 $0x80  }
0x7: {  	s18 =	simm.s32 $0x600;
	s19 =	simm.s32 $0x500;
	s20 =	simm.s32 $0x680  }
0x8: {  	s21 =	simm.s32 $0x580;
	s22 =	simm.s32 $0x2;
	s23 =	simm.s32 $0x0  }
0x9: {  	[smem:$0x7FF] =	sst s3;
	s5 =	sand.u32 $0x1, s5;
	s7 =	sshll.u32 s11, $0x8  }
0xa: {  	p0 =	sne.s32 s11, $0x0;
	s11 =	simm.s32 $0x300;
	_ =	strace $0x8000004A  }
0xb: {  	s6 =	sshll.u32 s5, $0x5;
	s8 =	sshll.u32 s5, $0xC;
	s29 =	sshll.u32 s5, $0xD  }
0xc: {  	s5 =	ssub.s32 $0x2, s5;
	s15 =	sshrl.u32 @!p0 s2, $0x3;
	s9 =	sadd.s32 s6, s4  }
0xd: {  	s28 =	sor.u32 s7, s8;
	s7 =	sor.u32 s7, s29;
	s31 =	sshrl.u32 s5, $0x1  }
0xe: {  	s12 =	sadd.s32 s29, s4;
	s6 =	sshrl.u32 s28, $0x3;
	s30 =	sshrl.u32 s7, $0x3  }
0xf: {  	s13 =	ssub.s32 s5, s31;
	s10 =	sadd.s32 s6, s4;
	s6 =	sadd.s32 s30, s4  }
0x10: {  	s7 =	sadd.s32 $0x7400, s9;
	s4 =	sadd.s32 $0x6A00, s6;
	s5 =	sadd.s32 $0x6C00, s6  }
0x11: {  	s6 =	sadd.s32 $0x7200, s9;
	s8 =	sadd.s32 $0x7A00, s10;
	s9 =	sadd.s32 $0x7E00, s12  }
0x12: {  	s10 =	smax.u32 s13, $0x1;
	s12 =	simm.s32 $0x400;
	s13 =	simm.s32 $0x100  }
.LBB2_1:
0x13: {  	[tilespmem:s11], [sflag:$0x1] =	stream.linear.gather [hbm4b:s4+s3], $0x100, $0x38;
	[tilespmem:$0x1700] =	vst v63  }
0x14: {  	_ = 	snop  }
0x15: {  	[tilespmem:s12], [sflag:$0x1] =	stream.linear.gather [hbm4b:s5+s3], $0x100, $0x38;
	[tilespmem:$0x1700] =	vst v63  }
0x16: {  	_ = 	snop  }
0x17: {  	[tilespmem:s3], [sflag:$0x1] =	stream.linear.gather [hbm4b:s6+s3], $0x100, $0x38;
	[tilespmem:$0x1700] =	vst v63  }
0x18: {  	_ = 	snop  }
0x19: {  	[tilespmem:s13], [sflag:$0x1] =	stream.linear.gather [hbm4b:s7+s3], $0x100, $0x38;
	[tilespmem:$0x1700] =	vst v63  }
0x1a: {  	s24 =	simm.s32 @!p0 $0x1C03  }
0x1b: {  	[tilespmem:s14], [sflag:$0x1] =	stream.linear.gather [hbm4b:s8+s3], $0x100, $0x38;
	[tilespmem:$0x1700] =	vst v63  }
0x1c: {  	[spmem:s15], [sflag:s24] =	dma.local @!p0 [hbm:s1], $0x2000  }
0x1d: {  	s24 =	simm.s32 @!p0 $0x3  }
0x1e: {  	_ =	swait.ge @!p0 [sflag:s24], $0x2000  }
0x1f: {  	[sflag:s24] =	ssyncset.done @!p0 $0x0  }
0x20: {  	[sflag:s24] =	ssyncadd.s32 @!p0 $0xFFFFE000  }
0x21: {  	_ =	swait.ge [sflag:s16], $0x100  }
0x22: {  	[sflag:s16] =	ssyncset.done $0x0  }
0x23: {  	[sflag:s16] =	ssyncadd.s32 $0xFFFFFF00  }
0x24: {  	_ =	swait.ge [sflag:s16], $0x100  }
0x25: {  	[sflag:s16] =	ssyncset.done $0x0  }
0x26: {  	[sflag:s16] =	ssyncadd.s32 $0xFFFFFF00  }
0x27: {  	_ =	swait.ge [sflag:s16], $0x100  }
0x28: {  	[sflag:s16] =	ssyncset.done $0x0  }
0x29: {  	[sflag:s16] =	ssyncadd.s32 $0xFFFFFF00  }
0x2a: {  	_ =	swait.ge [sflag:s16], $0x100  }
0x2b: {  	[sflag:s16] =	ssyncset.done $0x0  }
0x2c: {  	[sflag:s16] =	ssyncadd.s32 $0xFFFFFF00  }
0x2d: {  	_ =	swait.ge [sflag:s16], $0x100  }
0x2e: {  	[sflag:s16] =	ssyncset.done $0x0  }
0x2f: {  	s24 =	simm.s32 $0x0;
	[sflag:s16] =	ssyncadd.s32 $0xFFFFFF00  }
0x30: {  	v0 =	vld [tilespmem:s24+$0x300]  }
0x31: {  	v1 =	vld [tilespmem:s24+$0x400];
	_ =	sdelay $0x6  }
0x32: {  	v3 =	vld.idx.msk [tilespmem:v0+s3+$0x0], $0xffff  }
0x33: {  	v2 =	vshll.u32 v1, $0x8;
	v1 =	vld.idx.msk [tilespmem:v1+s13+$0x0], $0xffff  }
0x34: {  	v0 =	vadd.s32 v0, v2  }
0x35: {  	[tilespmem:s24+$0x600] =	vst v0;
	v0 =	vld [tilespmem:s24+$0x200];
	_ =	sdelay $0x2  }
0x36: {  	v1 =	vadd.f32 v1, v3;
	_ =	sdelay $0x1  }
0x37: {  	v0 =	vadd.f32 v0, v1;
	_ =	sdelay $0x1  }
0x38: {  	v1 =	vmul.f32 $2.000000030e-01, v0;
	_ =	sdelay $0x1  }
0x39: {  	v0 =	vmax.f32 v0, v1  }
0x3a: {  	v0 =	vmul.f32 $1.442695020e+00, v0;
	_ =	sdelay $0x1  }
0x3b: {  	(erf) = vpow2.f32 v0;
	_ =	sdelay $0x1  }
0x3c: {  	s26 =	simm.s32 $0x10  }
0x3d: {  	s25 =	simm.s32 $0x80;
	v0 =	vld [tilespmem:s26+$0x300]  }
.LBB2_2:
0x3e: {  	p1 =	sne.s32 s25, $0x3C0;
	v1 =	vld [tilespmem:s26+$0x400];
	_ =	sdelay $0x4  }
0x3f: {  	v2 =	vpop (erf)  }
0x40: {  	v3 =	vshll.u32 v1, $0x8;
	[tilespmem:s24+$0x500] =	vst v2;
	s24 =	smov.u32 s26  }
0x41: {  	v2 =	vld.idx.msk [tilespmem:v0+s3+$0x0], $0xffff;
	v0 =	vadd.s32 v0, v3  }
0x42: {  	v1 =	vld.idx.msk [tilespmem:v1+s13+$0x0], $0xffff;
	[tilespmem:s24+$0x600] =	vst v0;
	_ =	sdelay $0x2  }
0x43: {  	v0 =	vld [tilespmem:s24+$0x200];
	_ =	sdelay $0x2  }
0x44: {  	v1 =	vadd.f32 v1, v2;
	_ =	sdelay $0x1  }
0x45: {  	v0 =	vadd.f32 v0, v1;
	_ =	sdelay $0x1  }
0x46: {  	v1 =	vmul.f32 $2.000000030e-01, v0;
	_ =	sdelay $0x1  }
0x47: {  	v0 =	vmax.f32 v0, v1  }
0x48: {  	v0 =	vmul.f32 $1.442695020e+00, v0  }
.Ltmp0:
0x49: {  	(pc) =	sbr.rel @p1 .LBB2_2-.Ltmp0, $3  }
0x4a: {  	(erf) = vpow2.f32 v0;
	_ =	sdelay $0x1  }
0x4b: {  	s26 =	sshra.s32 s25, $0x2  }
0x4c: {  	s25 =	sadd.s32 $0x40, s25;
	v0 =	vld [tilespmem:s26+$0x300]  }
0x4d: {  	_ = 	snop  }
0x4e: {  	v1 =	vld [tilespmem:s26+$0x400];
	_ =	sdelay $0x4  }
0x4f: {  	v2 =	vpop (erf)  }
0x50: {  	[tilespmem:s24+$0x500] =	vst v2  }
0x51: {  	v3 =	vld.idx.msk [tilespmem:v0+s3+$0x0], $0xffff  }
0x52: {  	v61 =	vshll.u32 v1, $0x8;
	v1 =	vld.idx.msk [tilespmem:v1+s13+$0x0], $0xffff;
	_ =	sdelay $0x1  }
0x53: {  	v63 =	vld [tilespmem:s26+$0x200];
	_ =	sdelay $0x2  }
0x54: {  	v1 =	vadd.f32 v1, v3;
	_ =	sdelay $0x1  }
0x55: {  	v62 =	vadd.s32 v0, v61;
	v0 =	vadd.f32 v63, v1;
	_ =	sdelay $0x1  }
0x56: {  	v1 =	vmul.f32 $2.000000030e-01, v0;
	_ =	sdelay $0x1  }
0x57: {  	v0 =	vmax.f32 v0, v1  }
0x58: {  	v0 =	vmul.f32 $1.442695020e+00, v0;
	_ =	sdelay $0x1  }
0x59: {  	(erf) = vpow2.f32 v0;
	_ =	sdelay $0x8  }
0x5a: {  	[tilespmem:s26+$0x600] =	vst v62;
	v0 =	vpop (erf)  }
0x5b: {  	[tilespmem:s26+$0x500] =	vst v0  }
0x5c: {  	[bflag:$0x0] =	sbarrier.arrive $0xFFFF  }
0x5d: {  	[spmem:s2] =	stream.indirect.scatter.add.f32 [tilespmem:s19], [sflag:$0x2], $0x1, s18, s17, $0xb8;
	[tilespmem:$0x1700] =	vst v63  }
0x5e: {  	_ = 	snop  }
0x5f: {  	[spmem:s2] =	stream.indirect.scatter.add.f32 [tilespmem:s21], [sflag:$0x2], $0x1, s20, s17, $0xb8;
	[tilespmem:$0x1700] =	vst v63  }
0x60: {  	_ =	swait.ge [sflag:s22], $0x80  }
0x61: {  	[sflag:s22] =	ssyncset.done $0x0  }
0x62: {  	[sflag:s22] =	ssyncadd.s32 $0xFFFFFF80  }
0x63: {  	_ =	swait.ge [sflag:s22], $0x80  }
0x64: {  	[sflag:s22] =	ssyncset.done $0x0  }
0x65: {  	s23 =	sadd.s32 $0x1, s23;
	[sflag:s22] =	ssyncadd.s32 $0xFFFFFF80  }
0x66: {  	p1 =	sne.s32 s23, s10;
	s24 =	simm.s32 @!p0 $0x1C03;
	[bflag:$0x0] =	sbarrier.arrive $0xFFFF  }
0x67: {  	[hbm:s9], [sflag:s24] =	dma.local @!p0 [spmem:s15], $0x2000  }
.Ltmp1:
0x68: {  	_ = 	snop;
	(pc) =	sbr.rel @p1 .LBB2_1-.Ltmp1, $4  }
0x69: {  	s24 =	simm.s32 @!p0 $0x3  }
0x6a: {  	_ =	swait.ge @!p0 [sflag:s24], $0x2000  }
0x6b: {  	[sflag:s24] =	ssyncset.done @!p0 $0x0  }
0x6c: {  	[sflag:s24] =	ssyncadd.s32 @!p0 $0xFFFFE000  }
0x6d: {  	_ =	sfence.sel $0x180000  }
0x6e: {  	[bflag:$0x0] =	sbarrier.arrive $0xFFFF  }
0x6f: {  	_ =	strace $0x9000004A  }
0x70: {  	s0 =	sadd.s32 @!p0 $0x100000, s0;
	[bflag:$0x2] =	sbarrier.arrive $0xFFFF  }
0x71: {  	[sflag:s0] =	ssyncadd.tile.s32 @!p0 $0x1;
	_ =	shalt  }
.Lfunc_end2:
_tile_overlayer_lowered:
.L_overlay_start_2:
0x72: {  	(tag) =	ssettag $0x2  }
0x73: {  	s0 =	rddreg [dreg:$0x0];
	s2 =	stileid.u32  }
0x74: {  	s1 =	rddreg [dreg:$0x1];
	p0 =	sne.s32 s2, $0x0  }
0x75: {  	s3 =	rddreg [dreg:$0x2];
	[bflag:$0x3] =	sbarrier.arrive $0xFFFF;
	s2 =	simm.s32 @!p0 $0x1C03  }
0x76: {  	[timem:s3], [sflag:s2] =	dma.local @!p0 [hbm:s0], s1  }
0x77: {  	s0 =	simm.s32 @!p0 $0x3  }
0x78: {  	_ =	swait.ge @!p0 [sflag:s0], s1  }
0x79: {  	s1 =	ssub.s32 @!p0 $0x0, s1;
	[sflag:s0] =	ssyncset.done @!p0 $0x0  }
0x7a: {  	[sflag:s0] =	ssyncadd.s32 @!p0 s1  }
0x7b: {  	[bflag:$0x3] =	sbarrier.arrive $0xFFFF  }
0x7c: {  	_ =	shalt  }

// kernel: kernel.7.cloned.1.call-start
scs
__scs_entry_jumppad:
0x0: {  	(pc) =	sbr.rel $0x88, $3  }
0x1: {  	(tag) =	ssettag $0x0;
	lr =	simm.s32 $0x1  }
0x2: {  	[smem:$0x3F77] =	sst lr;
	_ =	strace $0xD0000000  }
0x3: {  	_ = 	snop  }
0x4: {  	_ = 	snop  }
0x5: {  	_ = 	snop  }
0x6: {  	_ = 	snop  }
0x7: {  	_ = 	snop  }
__scs_overlays_trampoline_lowered:
0x8: {  	[smem:$0x3F86] =	sst s0  }
0x9: {  	[smem:$0x3F87] =	sst s1  }
0xa: {  	[smem:$0x3F88] =	sst s2  }
0xb: {  	[smem:$0x3F89] =	sst s3  }
0xc: {  	[smem:$0x3F8A] =	sst s4  }
0xd: {  	[smem:$0x3F8B] =	sst s5  }
0xe: {  	[smem:$0x3F8C] =	sst s6  }
0xf: {  	[smem:$0x3F8D] =	sst s7  }
0x10: {  	[smem:$0x3F8E] =	sst s8  }
0x11: {  	[smem:$0x3F8F] =	sst s9;
	s0 =	simm.s32 @!p0 $0x0  }
0x12: {  	s1 =	sld [smem:$0x3F75];
	s0 =	simm.s32 @p0 $0x1  }
0x13: {  	[smem:$0x3F90] =	sst s0;
	s0 =	simm.s32 @!p1 $0x0  }
0x14: {  	s2 =	sld [smem:$0x3F74];
	s0 =	simm.s32 @p1 $0x1  }
0x15: {  	[smem:$0x3F91] =	sst s0;
	s0 =	simm.s32 @!p2 $0x0  }
0x16: {  	s3 =	sld [smem:$0x3FDB];
	s0 =	simm.s32 @p2 $0x1  }
0x17: {  	s4 =	simm.s32 $0x1BF5;
	[smem:$0x3F93] =	sst s0  }
0x18: {  	s0 =	sld [smem:$0x3F76];
	_ =	swait.ge [sflag:s4], $0x0  }
0x19: {  	s7 =	sld [smem:$0x3F77]  }
0x1a: {  	s8 =	sadd.s32 $0xFFFFE003, lr  }
0x1b: {  	s9 =	sadd.s32 $0xFFFFFEF7, lr;
	s5 =	simm.s32 $0xFFFFFFFF;
	p2 =	slt.u32 s8, $0xFFFFF086  }
0x1c: {  	p1 =	slt.u32 s9, $0xF7A;
	s5 =	simm.s32 @!p2 $0x0  }
0x1d: {  	s5 =	simm.s32 @p1 $0x1;
	p0 =	seq.s32 s7, s2  }
0x1e: {  	s7 =	smul.u32 @!p0 $0xF7A, s2;
	p2 =	seq.s32 @!p0 s5, $0x0  }
0x1f: {  	s9 =	smul.u32 $0xF7A, s1;
	s8 =	simm.s32 @!p0 $0x1BF5;
	p2 =	por !p2, p0  }
0x20: {  	[sflag:s8] =	ssyncset.s32 @!p0 $0xFFFFF086;
	s6 =	sadd.s32 @!p0 s3, s7;
	s7 =	simm.s32 @!p0 $0x108  }
0x21: {  	s3 =	sadd.s32 s3, s9;
	s6 =	sadd.s32 @!p0 $0x88, s6;
	s7 =	simm.s32 @p2 $0x1082  }
0x22: {  	[simem:s7], [sflag:s8] =	dma.local @!p0 [hbm:s6], $0xF7A  }
0x23: {  	s9 =	sor.u32 $0xD0000000, s2;
	s6 =	simm.s32 $0x108;
	_ =	swait.ge @!p0 [sflag:s8], $0x0  }
0x24: {  	s3 =	sadd.s32 $0x88, s3;
	s6 =	simm.s32 @!p1 $0x1082;
	[sflag:s4] =	ssyncset.s32 $0xFFFFF086  }
0x25: {  	[simem:s6], [sflag:s4] =	dma.local [hbm:s3], $0xF7A  }
0x26: {  	[smem:$0x3F77] =	sst s1;
	(tag) =	ssettag s2;
	_ =	strace s9  }
0x27: {  	s1 =	sld [smem:$0x3F87]  }
0x28: {  	s2 =	sld [smem:$0x3F88]  }
0x29: {  	s4 =	sld [smem:$0x3F8A]  }
0x2a: {  	p0 =	seq.s32 s5, $0x0;
	s5 =	sld [smem:$0x3F8B]  }
0x2b: {  	s6 =	sld [smem:$0x3F8C]  }
0x2c: {  	s7 =	sld [smem:$0x3F8D]  }
0x2d: {  	s3 =	simm.s32 $0x108;
	s8 =	sld [smem:$0x3F8E]  }
0x2e: {  	s3 =	simm.s32 @!p0 $0x1082;
	s9 =	sld [smem:$0x3F8F]  }
0x2f: {  	lr =	sadd.s32 s0, s3;
	s0 =	sld [smem:$0x3F86]  }
0x30: {  	s3 =	sld [smem:$0x3F89]  }
0x31: {  	[smem:$0x3F92] =	sst s10  }
0x32: {  	s10 =	sld [smem:$0x3F90];
	_ =	sdelay $0x3  }
0x33: {  	p0 =	seq.s32 s10, $0x1;
	s10 =	sld [smem:$0x3F92];
	_ =	sdelay $0x3  }
0x34: {  	[smem:$0x3F92] =	sst s10  }
0x35: {  	s10 =	sld [smem:$0x3F91];
	_ =	sdelay $0x3  }
0x36: {  	p1 =	seq.s32 s10, $0x1;
	s10 =	sld [smem:$0x3F92];
	_ =	sdelay $0x3  }
0x37: {  	[smem:$0x3F92] =	sst s10  }
0x38: {  	s10 =	sld [smem:$0x3F93]  }
0x39: {  	_ = 	snop;
	(pc) =	sbr.ind lr, $3  }
0x3a: {  	_ = 	snop  }
0x3b: {  	_ = 	snop  }
0x3c: {  	p2 =	seq.s32 s10, $0x1;
	s10 =	sld [smem:$0x3F92]  }
0x3d: {  	_ =	shalt  }
0x3e: {  	_ =	shalt  }
0x3f: {  	_ =	shalt  }
0x40: {  	_ =	shalt  }
0x41: {  	_ =	shalt  }
0x42: {  	_ =	shalt  }
0x43: {  	_ =	shalt  }
0x44: {  	_ =	shalt  }
0x45: {  	_ =	shalt  }
0x46: {  	_ =	shalt  }
0x47: {  	_ =	shalt  }
0x48: {  	_ =	shalt  }
0x49: {  	_ =	shalt  }
0x4a: {  	_ =	shalt  }
0x4b: {  	_ =	shalt  }
0x4c: {  	_ =	shalt  }
0x4d: {  	_ =	shalt  }
0x4e: {  	_ =	shalt  }
0x4f: {  	_ =	shalt  }
0x50: {  	_ =	shalt  }
0x51: {  	_ =	shalt  }
0x52: {  	_ =	shalt  }
0x53: {  	_ =	shalt  }
0x54: {  	_ =	shalt  }
0x55: {  	_ =	shalt  }
0x56: {  	_ =	shalt  }
0x57: {  	_ =	shalt  }
0x58: {  	_ =	shalt  }
0x59: {  	_ =	shalt  }
0x5a: {  	_ =	shalt  }
0x5b: {  	_ =	shalt  }
0x5c: {  	_ =	shalt  }
0x5d: {  	_ =	shalt  }
0x5e: {  	_ =	shalt  }
0x5f: {  	_ =	shalt  }
0x60: {  	_ =	shalt  }
0x61: {  	_ =	shalt  }
0x62: {  	_ =	shalt  }
0x63: {  	_ =	shalt  }
0x64: {  	_ =	shalt  }
0x65: {  	_ =	shalt  }
0x66: {  	_ =	shalt  }
0x67: {  	_ =	shalt  }
0x68: {  	_ =	shalt  }
0x69: {  	_ =	shalt  }
0x6a: {  	_ =	shalt  }
0x6b: {  	_ =	shalt  }
0x6c: {  	_ =	shalt  }
0x6d: {  	_ =	shalt  }
0x6e: {  	_ =	shalt  }
0x6f: {  	_ =	shalt  }
0x70: {  	_ =	shalt  }
0x71: {  	_ =	shalt  }
0x72: {  	_ =	shalt  }
0x73: {  	_ =	shalt  }
0x74: {  	_ =	shalt  }
0x75: {  	_ =	shalt  }
0x76: {  	_ =	shalt  }
0x77: {  	_ =	shalt  }
0x78: {  	_ =	shalt  }
0x79: {  	_ =	shalt  }
0x7a: {  	_ =	shalt  }
0x7b: {  	_ =	shalt  }
0x7c: {  	_ =	shalt  }
0x7d: {  	_ =	shalt  }
0x7e: {  	_ =	shalt  }
0x7f: {  	_ =	shalt  }
0x80: {  	_ =	shalt  }
0x81: {  	_ =	shalt  }
0x82: {  	_ =	shalt  }
0x83: {  	_ =	shalt  }
0x84: {  	_ =	shalt  }
0x85: {  	_ =	shalt  }
0x86: {  	_ =	shalt  }
0x87: {  	_ =	shalt  }
.Lfunc_end0:
.L_simem_size_0:
called_computation_lowered:
.L_overlay_start_0:
0x88: {  	s2 =	sld [smem:$0x3FD9]  }
0x89: {  	s3 =	sld [smem:$0x3FFE];
	_ =	sdelay $0x1  }
0x8a: {  	s1 =	srdreg.scid  }
0x8b: {  	s0 =	sand.u32 $0x1, s1  }
0x8c: {  	s17 =	sshll.u32 s0, $0xA;
	s2 =	sadd.s32 s3, s2  }
0x8d: {  	s2 =	sadd.s32 s2, s17  }
0x8e: {  	[smem:$0x3F9E] =	sst s2  }
0x8f: {  	_ = 	snop  }
0x90: {  	s2 =	sld [smem:$0x3FD0];
	(tm) =	ssettm $0x1  }
0x91: {  	s18 =	sld [smem:$0x3FFB];
	_ =	sdelay $0x3  }
0x92: {  	_ =	strace s18  }
0x93: {  	s3 =	sld [smem:$0x3FFC];
	_ =	sdelay $0x3  }
0x94: {  	_ =	strace s3  }
0x95: {  	s3 =	sld [smem:$0x3FFD];
	_ =	sdelay $0x3  }
0x96: {  	_ =	strace s3  }
0x97: {  	_ =	strace $0x8FFFFFFF  }
0x98: {  	s19 =	sld [smem:$0x3FDB];
	_ =	sdelay $0x1  }
0x99: {  	s4 =	simm.s32 $_scs_section_size  }
0x9a: {  	s5 =	simm.s32 $_size__tile_overlayer_lowered;
	s6 =	simm.s32 $_tile_overlayer_lowered  }
0x9b: {  	s22 =	simm.s32 $0x1BFF;
	s21 =	sshll.u32 s6, $0x1;
	s3 =	sadd.s32 s4, s19  }
0x9c: {  	s7 =	simm.s32 $0x0;
	s20 =	sshll.u32 s5, $0x1;
	s5 =	sadd.s32 s21, s3  }
0x9d: {  	[timem:s7], [sflag:s22] =	dma.local [hbm:s5], s20  }
0x9e: {  	_ =	swait.ge [sflag:s22], s20  }
0x9f: {  	s4 =	ssub.s32 $0x0, s20;
	[sflag:s22] =	ssyncset.done $0x0  }
0xa0: {  	[sflag:s22] =	ssyncadd.s32 s4;
	_ =	sdelay $0x1  }
0xa1: {  	s23 =	simm.s32 $0x1B8B  }
0xa2: {  	_ =	swait.ge [sflag:s23], $0x1  }
0xa3: {  	[sflag:s23] =	ssyncset.done $0x0  }
0xa4: {  	s25 =	simm.s32 $0x1B8E;
	s24 =	sld [smem:$0x3FFE];
	[sflag:s23] =	ssyncadd.s32 $0xFFFFFFFF  }
0xa5: {  	s26 =	simm.s32 $execute0_lowered;
	[smem:$0x3FD2] =	sst s25  }
0xa6: {  	s5 =	sshll.u32 s26, $0x1;
	_ =	strace $0x80000046;
	[dreg:$0x1] =	wrdreg $0xFFFFFFFF  }
0xa7: {  	s28 =	simm.s32 $_size_execute0_lowered;
	s3 =	sadd.s32 s3, s5;
	[dreg:$0x0] =	wrdreg $0x0  }
0xa8: {  	s5 =	sshll.u32 s28, $0x1;
	[dreg:$0x2] =	wrdreg s3  }
0xa9: {  	[dreg:$0x3] =	wrdreg s5  }
0xaa: {  	[dreg:$0x4] =	wrdreg $0xC0  }
0xab: {  	_ =	task [dreg:s7], $0x5FFFF  }
0xac: {  	[dreg:$0x1] =	wrdreg $0xFFFFFFFF  }
0xad: {  	[dreg:$0x0] =	wrdreg $0x60  }
0xae: {  	[dreg:$0x2] =	wrdreg s24  }
0xaf: {  	[dreg:$0x3] =	wrdreg s2  }
0xb0: {  	[dreg:$0x4] =	wrdreg $0x7000  }
0xb1: {  	[dreg:$0x5] =	wrdreg $0x9  }
0xb2: {  	_ =	task.clear_ibuf [dreg:s7], $0x6FFFF;
	_ =	strace $0x90000046  }
0xb3: {  	s29 =	simm.s32 $0x9;
	_ =	strace $0x80000048  }
0xb4: {  	_ =	swait.ge [sflag:s29], $0x1  }
0xb5: {  	[sflag:s29] =	ssyncadd.s32 $0xFFFFFFFF  }
0xb6: {  	_ =	strace $0x90000048  }
0xb7: {  	_ =	sfence  }
0xb8: {  	s30 =	sld [smem:$0x0];
	_ =	sdelay $0x2  }
0xb9: {  	s31 =	sshll.u32 s1, $0xD;
	s1 =	sshrl.u32 s1, $0x2  }
0xba: {  	s3 =	sand.u32 $0x4000, s31;
	s1 =	sadd.s32 s1, s30  }
0xbb: {  	s0 =	sor.u32 s3, s0;
	s1 =	sshll.u32 s1, $0x11  }
0xbc: {  	s0 =	sor.u32 s1, s0  }
0xbd: {  	s0 =	sadd.s32 $0x8F2B, s0  }
0xbe: {  	[sflag:s0] =	ssyncadd.remote.s32 $0x1  }
0xbf: {  	_ =	sfence.sel $0xFFFF  }
0xc0: {  	[dreg:$0x0] =	wrdreg $0xFFFFFFFF;
	(pc) =	sbr.abs _section_cstart, $3  }
0xc1: {  	[dreg:$0x1] =	wrdreg $0xFFFFFFFF  }
0xc2: {  	_ =	task.clear_ibuf [dreg:s7], $0x2FFFF;
	_ =	strace $0x9FFFFFFF  }
0xc3: {  	(tm) =	ssettm $0x7FFFFFFF  }
tec
execute0_lowered:
.L_overlay_start_1:
0x0: {  	(tag) =	ssettag $0x1  }
0x1: {  	s4 =	rddreg [dreg:$0x0]  }
0x2: {  	s1 =	rddreg [dreg:$0x1]  }
0x3: {  	s2 =	rddreg [dreg:$0x2]  }
0x4: {  	s0 =	rddreg [dreg:$0x3]  }
0x5: {  	s3 =	simm.s32 $0x0;
	s5 =	srdreg.scid;
	s11 =	stileid.u32  }
0x6: {  	s14 =	simm.s32 $0x200;
	s16 =	simm.s32 $0x1;
	s17 =	simm.s32 $0x80  }
0x7: {  	s18 =	simm.s32 $0x600;
	s19 =	simm.s32 $0x500;
	s20 =	simm.s32 $0x680  }
0x8: {  	s21 =	simm.s32 $0x580;
	s22 =	simm.s32 $0x2;
	s23 =	simm.s32 $0x0  }
0x9: {  	[smem:$0x7FF] =	sst s3;
	s5 =	sand.u32 $0x1, s5;
	s7 =	sshll.u32 s11, $0x8  }
0xa: {  	p0 =	sne.s32 s11, $0x0;
	s11 =	simm.s32 $0x300;
	_ =	strace $0x80000047  }
0xb: {  	s6 =	sshll.u32 s5, $0x5;
	s8 =	sshll.u32 s5, $0xC;
	s29 =	sshll.u32 s5, $0xD  }
0xc: {  	s5 =	ssub.s32 $0x2, s5;
	s15 =	sshrl.u32 @!p0 s2, $0x3;
	s9 =	sadd.s32 s6, s4  }
0xd: {  	s28 =	sor.u32 s7, s8;
	s7 =	sor.u32 s7, s29;
	s31 =	sshrl.u32 s5, $0x1  }
0xe: {  	s12 =	sadd.s32 s29, s4;
	s6 =	sshrl.u32 s28, $0x3;
	s30 =	sshrl.u32 s7, $0x3  }
0xf: {  	s13 =	ssub.s32 s5, s31;
	s10 =	sadd.s32 s6, s4;
	s6 =	sadd.s32 s30, s4  }
0x10: {  	s7 =	sadd.s32 $0x7800, s9;
	s4 =	sadd.s32 $0x6A00, s6;
	s5 =	sadd.s32 $0x6C00, s6  }
0x11: {  	s6 =	sadd.s32 $0x7600, s9;
	s8 =	sadd.s32 $0x7200, s10;
	s9 =	sadd.s32 $0x7E00, s12  }
0x12: {  	s10 =	smax.u32 s13, $0x1;
	s12 =	simm.s32 $0x400;
	s13 =	simm.s32 $0x100  }
.LBB2_1:
0x13: {  	[tilespmem:s11], [sflag:$0x1] =	stream.linear.gather [hbm4b:s4+s3], $0x100, $0x38;
	[tilespmem:$0x1700] =	vst v63  }
0x14: {  	_ = 	snop  }
0x15: {  	[tilespmem:s12], [sflag:$0x1] =	stream.linear.gather [hbm4b:s5+s3], $0x100, $0x38;
	[tilespmem:$0x1700] =	vst v63  }
0x16: {  	_ = 	snop  }
0x17: {  	[tilespmem:s3], [sflag:$0x1] =	stream.linear.gather [hbm4b:s6+s3], $0x100, $0x38;
	[tilespmem:$0x1700] =	vst v63  }
0x18: {  	_ = 	snop  }
0x19: {  	[tilespmem:s13], [sflag:$0x1] =	stream.linear.gather [hbm4b:s7+s3], $0x100, $0x38;
	[tilespmem:$0x1700] =	vst v63  }
0x1a: {  	s24 =	simm.s32 @!p0 $0x1C03  }
0x1b: {  	[tilespmem:s14], [sflag:$0x1] =	stream.linear.gather [hbm4b:s8+s3], $0x100, $0x38;
	[tilespmem:$0x1700] =	vst v63  }
0x1c: {  	[spmem:s15], [sflag:s24] =	dma.local @!p0 [hbm:s1], $0x2000  }
0x1d: {  	s24 =	simm.s32 @!p0 $0x3  }
0x1e: {  	_ =	swait.ge @!p0 [sflag:s24], $0x2000  }
0x1f: {  	[sflag:s24] =	ssyncset.done @!p0 $0x0  }
0x20: {  	[sflag:s24] =	ssyncadd.s32 @!p0 $0xFFFFE000  }
0x21: {  	_ =	swait.ge [sflag:s16], $0x100  }
0x22: {  	[sflag:s16] =	ssyncset.done $0x0  }
0x23: {  	[sflag:s16] =	ssyncadd.s32 $0xFFFFFF00  }
0x24: {  	_ =	swait.ge [sflag:s16], $0x100  }
0x25: {  	[sflag:s16] =	ssyncset.done $0x0  }
0x26: {  	[sflag:s16] =	ssyncadd.s32 $0xFFFFFF00  }
0x27: {  	_ =	swait.ge [sflag:s16], $0x100  }
0x28: {  	[sflag:s16] =	ssyncset.done $0x0  }
0x29: {  	[sflag:s16] =	ssyncadd.s32 $0xFFFFFF00  }
0x2a: {  	_ =	swait.ge [sflag:s16], $0x100  }
0x2b: {  	[sflag:s16] =	ssyncset.done $0x0  }
0x2c: {  	[sflag:s16] =	ssyncadd.s32 $0xFFFFFF00  }
0x2d: {  	_ =	swait.ge [sflag:s16], $0x100  }
0x2e: {  	[sflag:s16] =	ssyncset.done $0x0  }
0x2f: {  	s24 =	simm.s32 $0x0;
	[sflag:s16] =	ssyncadd.s32 $0xFFFFFF00  }
0x30: {  	v0 =	vld [tilespmem:s24+$0x300]  }
0x31: {  	v1 =	vld [tilespmem:s24+$0x400];
	_ =	sdelay $0x6  }
0x32: {  	v3 =	vld.idx.msk [tilespmem:v0+s3+$0x0], $0xffff  }
0x33: {  	v2 =	vshll.u32 v1, $0x8;
	v1 =	vld.idx.msk [tilespmem:v1+s13+$0x0], $0xffff  }
0x34: {  	v0 =	vadd.s32 v0, v2  }
0x35: {  	[tilespmem:s24+$0x600] =	vst v0;
	v0 =	vld [tilespmem:s24+$0x200];
	_ =	sdelay $0x2  }
0x36: {  	v1 =	vadd.f32 v1, v3;
	_ =	sdelay $0x1  }
0x37: {  	v0 =	vadd.f32 v0, v1;
	_ =	sdelay $0x1  }
0x38: {  	v1 =	vmul.f32 $2.000000030e-01, v0;
	_ =	sdelay $0x1  }
0x39: {  	v0 =	vmax.f32 v0, v1  }
0x3a: {  	v0 =	vmul.f32 $1.442695020e+00, v0;
	_ =	sdelay $0x1  }
0x3b: {  	(erf) = vpow2.f32 v0;
	_ =	sdelay $0x1  }
0x3c: {  	s26 =	simm.s32 $0x10  }
0x3d: {  	s25 =	simm.s32 $0x80;
	v0 =	vld [tilespmem:s26+$0x300]  }
.LBB2_2:
0x3e: {  	p1 =	sne.s32 s25, $0x3C0;
	v1 =	vld [tilespmem:s26+$0x400];
	_ =	sdelay $0x4  }
0x3f: {  	v2 =	vpop (erf)  }
0x40: {  	v3 =	vshll.u32 v1, $0x8;
	[tilespmem:s24+$0x500] =	vst v2;
	s24 =	smov.u32 s26  }
0x41: {  	v2 =	vld.idx.msk [tilespmem:v0+s3+$0x0], $0xffff;
	v0 =	vadd.s32 v0, v3  }
0x42: {  	v1 =	vld.idx.msk [tilespmem:v1+s13+$0x0], $0xffff;
	[tilespmem:s24+$0x600] =	vst v0;
	_ =	sdelay $0x2  }
0x43: {  	v0 =	vld [tilespmem:s24+$0x200];
	_ =	sdelay $0x2  }
0x44: {  	v1 =	vadd.f32 v1, v2;
	_ =	sdelay $0x1  }
0x45: {  	v0 =	vadd.f32 v0, v1;
	_ =	sdelay $0x1  }
0x46: {  	v1 =	vmul.f32 $2.000000030e-01, v0;
	_ =	sdelay $0x1  }
0x47: {  	v0 =	vmax.f32 v0, v1  }
0x48: {  	v0 =	vmul.f32 $1.442695020e+00, v0  }
.Ltmp0:
0x49: {  	(pc) =	sbr.rel @p1 .LBB2_2-.Ltmp0, $3  }
0x4a: {  	(erf) = vpow2.f32 v0;
	_ =	sdelay $0x1  }
0x4b: {  	s26 =	sshra.s32 s25, $0x2  }
0x4c: {  	s25 =	sadd.s32 $0x40, s25;
	v0 =	vld [tilespmem:s26+$0x300]  }
0x4d: {  	_ = 	snop  }
0x4e: {  	v1 =	vld [tilespmem:s26+$0x400];
	_ =	sdelay $0x4  }
0x4f: {  	v2 =	vpop (erf)  }
0x50: {  	[tilespmem:s24+$0x500] =	vst v2  }
0x51: {  	v3 =	vld.idx.msk [tilespmem:v0+s3+$0x0], $0xffff  }
0x52: {  	v61 =	vshll.u32 v1, $0x8;
	v1 =	vld.idx.msk [tilespmem:v1+s13+$0x0], $0xffff;
	_ =	sdelay $0x1  }
0x53: {  	v63 =	vld [tilespmem:s26+$0x200];
	_ =	sdelay $0x2  }
0x54: {  	v1 =	vadd.f32 v1, v3;
	_ =	sdelay $0x1  }
0x55: {  	v62 =	vadd.s32 v0, v61;
	v0 =	vadd.f32 v63, v1;
	_ =	sdelay $0x1  }
0x56: {  	v1 =	vmul.f32 $2.000000030e-01, v0;
	_ =	sdelay $0x1  }
0x57: {  	v0 =	vmax.f32 v0, v1  }
0x58: {  	v0 =	vmul.f32 $1.442695020e+00, v0;
	_ =	sdelay $0x1  }
0x59: {  	(erf) = vpow2.f32 v0;
	_ =	sdelay $0x8  }
0x5a: {  	[tilespmem:s26+$0x600] =	vst v62;
	v0 =	vpop (erf)  }
0x5b: {  	[tilespmem:s26+$0x500] =	vst v0  }
0x5c: {  	[bflag:$0x0] =	sbarrier.arrive $0xFFFF  }
0x5d: {  	[spmem:s2] =	stream.indirect.scatter.add.f32 [tilespmem:s19], [sflag:$0x2], $0x1, s18, s17, $0xb8;
	[tilespmem:$0x1700] =	vst v63  }
0x5e: {  	_ = 	snop  }
0x5f: {  	[spmem:s2] =	stream.indirect.scatter.add.f32 [tilespmem:s21], [sflag:$0x2], $0x1, s20, s17, $0xb8;
	[tilespmem:$0x1700] =	vst v63  }
0x60: {  	_ =	swait.ge [sflag:s22], $0x80  }
0x61: {  	[sflag:s22] =	ssyncset.done $0x0  }
0x62: {  	[sflag:s22] =	ssyncadd.s32 $0xFFFFFF80  }
0x63: {  	_ =	swait.ge [sflag:s22], $0x80  }
0x64: {  	[sflag:s22] =	ssyncset.done $0x0  }
0x65: {  	s23 =	sadd.s32 $0x1, s23;
	[sflag:s22] =	ssyncadd.s32 $0xFFFFFF80  }
0x66: {  	p1 =	sne.s32 s23, s10;
	s24 =	simm.s32 @!p0 $0x1C03;
	[bflag:$0x0] =	sbarrier.arrive $0xFFFF  }
0x67: {  	[hbm:s9], [sflag:s24] =	dma.local @!p0 [spmem:s15], $0x2000  }
.Ltmp1:
0x68: {  	_ = 	snop;
	(pc) =	sbr.rel @p1 .LBB2_1-.Ltmp1, $4  }
0x69: {  	s24 =	simm.s32 @!p0 $0x3  }
0x6a: {  	_ =	swait.ge @!p0 [sflag:s24], $0x2000  }
0x6b: {  	[sflag:s24] =	ssyncset.done @!p0 $0x0  }
0x6c: {  	[sflag:s24] =	ssyncadd.s32 @!p0 $0xFFFFE000  }
0x6d: {  	_ =	sfence.sel $0x180000  }
0x6e: {  	[bflag:$0x0] =	sbarrier.arrive $0xFFFF  }
0x6f: {  	_ =	strace $0x90000047  }
0x70: {  	s0 =	sadd.s32 @!p0 $0x100000, s0;
	[bflag:$0x2] =	sbarrier.arrive $0xFFFF  }
0x71: {  	[sflag:s0] =	ssyncadd.tile.s32 @!p0 $0x1;
	_ =	shalt  }
.Lfunc_end2:
_tile_overlayer_lowered:
.L_overlay_start_2:
0x72: {  	(tag) =	ssettag $0x2  }
0x73: {  	s0 =	rddreg [dreg:$0x0];
	s2 =	stileid.u32  }
0x74: {  	s1 =	rddreg [dreg:$0x1];
	p0 =	sne.s32 s2, $0x0  }
0x75: {  	s3 =	rddreg [dreg:$0x2];
	[bflag:$0x3] =	sbarrier.arrive $0xFFFF;
	s2 =	simm.s32 @!p0 $0x1C03  }
0x76: {  	[timem:s3], [sflag:s2] =	dma.local @!p0 [hbm:s0], s1  }
0x77: {  	s0 =	simm.s32 @!p0 $0x3  }
0x78: {  	_ =	swait.ge @!p0 [sflag:s0], s1  }
0x79: {  	s1 =	ssub.s32 @!p0 $0x0, s1;
	[sflag:s0] =	ssyncset.done @!p0 $0x0  }
0x7a: {  	[sflag:s0] =	ssyncadd.s32 @!p0 s1  }
0x7b: {  	[bflag:$0x3] =	sbarrier.arrive $0xFFFF  }
0x7c: {  	_ =	shalt  }

</sc_bundles>
